<compile_context>
chip_gen: v7x
topology: tpu7x:2x2x1
jax: 0.10.2.dev20260603
libtpu: 0.0.44.dev20260713+nightly
codegen_flags: <defaults>
</compile_context>

<pallas_src>
import functools

import jax
import jax.numpy as jnp
from jax import lax
from jax.experimental import pallas as pl
from jax.experimental.pallas import tpu as pltpu
from jax.experimental.pallas import tpu_sc as plsc

_N_CELLS = 50000
_N_GENES = 128
_N_LABELS = 8
_EMB = 64
_B = 16384

_PS = 6272


def _tc_tables_body(embt_ref, ctw_ref, decw_ref, decb_ref, p_ref, pc_ref):
    ctw = ctw_ref[...]
    dup = (lax.broadcasted_iota(jnp.int32, (_N_LABELS, 16), 1) & 7
           == lax.broadcasted_iota(jnp.int32, (_N_LABELS, 16), 0)
           ).astype(jnp.float32)
    for s in range(8):
        w = _PS if s < 7 else _N_CELLS - 7 * _PS
        logits = lax.dot_general(
            ctw, embt_ref[:, s * _PS:s * _PS + w],
            (((1,), (0,)), ((), ())),
            preferred_element_type=jnp.float32)
        m = jnp.max(logits, axis=0, keepdims=True)
        e = jnp.exp(logits - m)
        pT = e / jnp.sum(e, axis=0, keepdims=True)
        p_ref[0:w, s * 16:(s + 1) * 16] = lax.dot_general(
            pT, dup, (((0,), (0,)), ((), ())),
            preferred_element_type=jnp.float32)

    decT = lax.dot_general(
        ctw, decw_ref[...], (((1,), (1,)), ((), ())),
        preferred_element_type=jnp.float32)
    decT = decT + decb_ref[...]
    m0 = jnp.max(decT, axis=1, keepdims=True)
    e0 = jnp.exp(decT - m0)
    pcT = e0 / jnp.sum(e0, axis=1, keepdims=True)
    dup128 = (lax.broadcasted_iota(jnp.int32, (_N_LABELS, 128), 1) & 7
              == lax.broadcasted_iota(jnp.int32, (_N_LABELS, 128), 0)
              ).astype(jnp.float32)
    pc_ref[...] = lax.dot_general(
        pcT, dup128, (((0,), (0,)), ((), ())),
        preferred_element_type=jnp.float32)


def _tc_tables(emb_t, ct_W, dec_W, dec_b):
    return pl.pallas_call(
        _tc_tables_body,
        grid=(1,),
        in_specs=[
            pl.BlockSpec((_EMB, _N_CELLS), lambda i: (0, 0)),
            pl.BlockSpec((_N_LABELS, _EMB), lambda i: (0, 0)),
            pl.BlockSpec((_N_GENES, _EMB), lambda i: (0, 0)),
            pl.BlockSpec((1, _N_GENES), lambda i: (0, 0)),
        ],
        out_specs=[
            pl.BlockSpec((_PS, 128), lambda i: (0, 0)),
            pl.BlockSpec((_N_GENES, 128), lambda i: (0, 0)),
        ],
        out_shape=[
            jax.ShapeDtypeStruct((_PS, 128), jnp.float32),
            jax.ShapeDtypeStruct((_N_GENES, 128), jnp.float32),
        ],
    )(emb_t, ct_W, dec_W, dec_b.reshape(1, _N_GENES))


def _take16(win, idx):
    return jnp.take_along_axis(win, idx, axis=0, mode="promise_in_bounds")


def _make_sc_gather():
    info = plsc.get_sparse_core_info()
    nc, ns, nl = info.num_cores, info.num_subcores, info.num_lanes
    nw = nc * ns
    bw = _B // nw
    nlb = _N_LABELS

    mesh = plsc.VectorSubcoreMesh(core_axis_name="c", subcore_axis_name="s")

    scratch = [
        pltpu.VMEM((bw,), jnp.int32),
        pltpu.VMEM((bw,), jnp.int32),
        pltpu.VMEM((bw,), jnp.int32),
        pltpu.VMEM((bw,), jnp.int32),
        pltpu.VMEM((bw * nlb,), jnp.int32),
        pltpu.VMEM((bw, nl), jnp.float32),
        pltpu.VMEM((bw, nl), jnp.float32),
        pltpu.VMEM((bw * nlb,), jnp.float32),
        pltpu.VMEM((bw, nl), jnp.float32),
        pltpu.SemaphoreType.DMA,
        pltpu.SemaphoreType.DMA,
    ]

    @functools.partial(
        pl.kernel,
        mesh=mesh,
        compiler_params=pltpu.CompilerParams(use_tc_tiling_on_sc=False),
        out_type=[
            jax.ShapeDtypeStruct((_B, nl), jnp.float32),
            jax.ShapeDtypeStruct((_B * nlb,), jnp.float32),
            jax.ShapeDtypeStruct((_B, nl), jnp.float32),
        ],
        scratch_types=scratch,
    )
    def sc_kernel(cells_hbm, genes_hbm, pzcw_hbm, p_hbm, pc_hbm,
                  pcz_out, qz_out, pz_out,
                  cells_v, genes_v, krow_v, grow_v, qidx_v, pz_v, pcr_v, qz_v,
                  pcz_v, sem, sem2):
        wid = lax.axis_index("s") * nc + lax.axis_index("c")
        base = wid * bw

        pltpu.sync_copy(cells_hbm.at[pl.ds(base, bw)], cells_v)
        pltpu.sync_copy(genes_hbm.at[pl.ds(base, bw)], genes_v)
        def gr_body(k, _):
            sl = pl.ds(k * nl, nl)
            grow_v[sl] = genes_v[sl] * nlb
            return 0
        lax.fori_loop(0, bw // nl, gr_body, 0, unroll=4)
        cp_pcr = pltpu.async_copy(pc_hbm.at[grow_v], pcr_v, sem2)

        def kr_body(k, _):
            sl = pl.ds(k * nl, nl)
            c = cells_v[sl]
            krow_v[sl] = lax.rem(c, _PS) * 8 + lax.div(c, _PS)
            return 0
        lax.fori_loop(0, bw // nl, kr_body, 0, unroll=4)

        cp_pz = pltpu.async_copy(p_hbm.at[krow_v], pz_v, sem)

        i16 = lax.iota(jnp.int32, nl)
        lsub = i16 & (nlb - 1)
        esub = i16 >> 3

        def qidx_body(k, _):
            win = pl.ds((k >> 3) * nl, nl)
            erl = esub + (k & 7) * 2
            c16 = _take16(cells_v[win], erl)
            g16 = _take16(genes_v[win], erl)
            qidx_v[pl.ds(k * nl, nl)] = c16 * 1024 + lsub * 128 + g16
            return 0
        lax.fori_loop(0, (bw * nlb) // nl, qidx_body, 0, unroll=4)

        cp_qz = pltpu.async_copy(pzcw_hbm.at[qidx_v], qz_v, sem)

        cp_pz.wait()
        cp_pcr.wait()

        def mul_body(k, _):
            pcz_v[k, :] = pz_v[k, :] * pcr_v[k, :]
            return 0
        lax.fori_loop(0, bw, mul_body, 0, unroll=8)

        pltpu.sync_copy(pz_v, pz_out.at[pl.ds(base, bw)])
        pltpu.sync_copy(pcz_v, pcz_out.at[pl.ds(base, bw)])
        cp_qz.wait()
        pltpu.sync_copy(qz_v, qz_out.at[pl.ds(base * nlb, bw * nlb)])

    return sc_kernel


def kernel(cells, genes, emb_table, ct_W, dec_W, dec_b, pz_cw):
    cells = cells.astype(jnp.int32)
    genes = genes.astype(jnp.int32)
    emb_t = emb_table.T
    pzcw_flat = jnp.transpose(pz_cw, (0, 2, 1)).reshape(-1)
    p2, pc128 = _tc_tables(emb_t, ct_W, dec_W, dec_b)
    p_table = p2.reshape(_PS * 8, 16)
    pc_table = pc128.reshape(_N_GENES * 8, 16)
    sc = _make_sc_gather()
    pcz16, qz_f, pz16 = sc(cells, genes, pzcw_flat, p_table, pc_table)
    shp = (_B, _N_LABELS)
    return (pcz16[:, :_N_LABELS], qz_f.reshape(shp), pz16[:, :_N_LABELS])

# --- scband reference (transcript-rebuilt; emitter-appended) ---
"""Pipeline reference for scband-v-graph-em-12335146074259 (READ-ONLY COPY).

The authoritative reference and input builder live on the scoring server;
editing this copy changes nothing except your own understanding.
"""

import jax, jax.numpy as jnp
import numpy as np

N_CELLS = 50000
N_GENES = 128
N_LABELS = 8
EMB_DIM = 64
B = 16384


def setup_inputs(seed: int = 0) -> dict:
    key = jax.random.key(seed)
    k1, k2, k3, k4, k5, k6 = jax.random.split(key, 6)
    cells = jax.random.randint(k1, (B,), 0, N_CELLS)
    genes = jax.random.randint(k2, (B,), 0, N_GENES)
    # learned parameters (encoder_depth=1 -> plain nn.Embedding; neg_samples=0,
    # decoder_depth=1 -> gene_decoder is Linear(emb_dim, n_genes))
    emb_table = jax.random.normal(k3, (N_CELLS, EMB_DIM), dtype=jnp.float32) * 0.05
    ct_W = jax.random.normal(k4, (N_LABELS, EMB_DIM), dtype=jnp.float32) * 0.05  # cell_type_emb: Linear(emb_dim, n_labels, bias=False) weight [out, in]
    dec_W = jax.random.normal(k5, (N_GENES, EMB_DIM), dtype=jnp.float32) * 0.05  # gene_decoder: Linear(emb_dim, n_genes) weight [out, in]
    dec_b = jnp.zeros((N_GENES,), dtype=jnp.float32)
    # non-trainable posterior buffer pz_cw [n_cells, n_genes, n_labels]
    pz_cw = jax.random.normal(k6, (N_CELLS, N_GENES, N_LABELS), dtype=jnp.float32)
    return {"cells": cells, "genes": genes, "emb_table": emb_table,
            "ct_W": ct_W, "dec_W": dec_W, "dec_b": dec_b, "pz_cw": pz_cw}


def reference(cells, genes, emb_table, ct_W, dec_W, dec_b, pz_cw):
    # w_cell_emb = self.w_cell_emb(cells)  (embedding gather)
    w_cell_emb = jnp.take(emb_table, cells, axis=0)            # [B, emb_dim]
    # pz_w = softmax(cell_type_emb(w_cell_emb))
    pz_w = jax.nn.softmax(w_cell_emb @ ct_W.T, axis=-1)        # [B, n_labels]
    # pc_zw = softmax(gene_decoder(cell_type_emb.weight), dim=-1).T
    dec_out = ct_W @ dec_W.T + dec_b                           # [n_labels, n_genes]
    pc_zw = jax.nn.softmax(dec_out, axis=-1).T                 # [n_genes, n_labels]
    # pcz_w = pz_w * pc_zw[genes]
    pcz_w = pz_w * jnp.take(pc_zw, genes, axis=0)              # [B, n_labels]
    # qz_w = self.pz_cw[cells, genes]  (2-axis gather from big buffer)
    qz_w = pz_cw[cells, genes]                                 # [B, n_labels]
    return (pcz_w, qz_w, pz_w)

if __name__ == "__main__":
    import jax
    _d = setup_inputs()
    print(jax.jit(kernel)(*tuple(_d.values())))

</pallas_src>

<mosaic_0001>
#map = affine_map<(d0, d1) -> (0)>
#map1 = affine_map<(d0, d1) -> (0, 0)>
module attributes {stable_mosaic.version = 14 : i64} {
  func.func @sc_kernel(%arg0: i32, %arg1: i32, %arg2: memref<16384xi32, #tpu.memory_space<hbm>>, %arg3: memref<16384xi32, #tpu.memory_space<hbm>>, %arg4: memref<51200000xf32, #tpu.memory_space<hbm>>, %arg5: memref<50176x16xf32, #tpu.memory_space<hbm>>, %arg6: memref<1024x16xf32, #tpu.memory_space<hbm>>, %arg7: memref<16384x16xf32, #tpu.memory_space<hbm>>, %arg8: memref<131072xf32, #tpu.memory_space<hbm>>, %arg9: memref<16384x16xf32, #tpu.memory_space<hbm>>, %arg10: memref<512xi32, #tpu.memory_space<vmem>>, %arg11: memref<512xi32, #tpu.memory_space<vmem>>, %arg12: memref<512xi32, #tpu.memory_space<vmem>>, %arg13: memref<512xi32, #tpu.memory_space<vmem>>, %arg14: memref<4096xi32, #tpu.memory_space<vmem>>, %arg15: memref<512x16xf32, #tpu.memory_space<vmem>>, %arg16: memref<512x16xf32, #tpu.memory_space<vmem>>, %arg17: memref<4096xf32, #tpu.memory_space<vmem>>, %arg18: memref<512x16xf32, #tpu.memory_space<vmem>>, %arg19: memref<!tpu.dma_semaphore, #tpu.memory_space<semaphore_mem>>, %arg20: memref<!tpu.dma_semaphore, #tpu.memory_space<semaphore_mem>>) attributes {dimension_semantics = [#tpu.dimension_semantics<core_parallel>, #tpu.dimension_semantics<subcore_parallel>], iteration_bounds = array<i64: 2, 16>, scalar_prefetch = 0 : i64, scratch_operands = 11 : i64, tpu.core_type = #tpu.core_type<sc_vector_subcore>, window_params = [{transform_indices = #map}, {transform_indices = #map}, {transform_indices = #map}, {transform_indices = #map1}, {transform_indices = #map1}, {transform_indices = #map1}, {transform_indices = #map}, {transform_indices = #map1}]} {
    %mul3A = arith.constant 2 : i32
    %mul3A_0 = arith.muli %arg1, %mul3A : i32
    %add3A = arith.addi %mul3A_0, %arg0 : i32
    %mul3A_1 = arith.constant 512 : i32
    %mul3A_2 = arith.muli %add3A, %mul3A_1 : i32
    "tpu.region"() ({
      %run_scoped3A = tpu.sem_alloc : memref<!tpu.dma_semaphore, #tpu.memory_space<semaphore_mem>>
      %dma_start3A_50 = tpu.memref_slice %arg2[%mul3A_2] : memref<16384xi32, #tpu.memory_space<hbm>> -> memref<512xi32, #tpu.memory_space<hbm>>
      %dma_start3A_51 = tpu.memref_slice %arg2[%mul3A_2] : memref<16384xi32, #tpu.memory_space<hbm>> -> memref<512xi32, #tpu.memory_space<hbm>>
      tpu.enqueue_dma source(%dma_start3A_51 : memref<512xi32, #tpu.memory_space<hbm>>) target(%arg10 : memref<512xi32, #tpu.memory_space<vmem>>) target_semaphore(%run_scoped3A : memref<!tpu.dma_semaphore, #tpu.memory_space<semaphore_mem>>)
      %dma_wait3A_52 = tpu.memref_slice %arg2[%mul3A_2] : memref<16384xi32, #tpu.memory_space<hbm>> -> memref<512xi32, #tpu.memory_space<hbm>>
      %dma_wait3A_53 = tpu.memref_slice %arg2[%mul3A_2] : memref<16384xi32, #tpu.memory_space<hbm>> -> memref<512xi32, #tpu.memory_space<hbm>>
      tpu.wait_dma2 semaphore(%run_scoped3A : memref<!tpu.dma_semaphore, #tpu.memory_space<semaphore_mem>>) src(%dma_wait3A_53 : memref<512xi32, #tpu.memory_space<hbm>>) dst(%arg10 : memref<512xi32, #tpu.memory_space<vmem>>)
      tpu.yield
    }) : () -> ()
    "tpu.region"() ({
      %run_scoped3A = tpu.sem_alloc : memref<!tpu.dma_semaphore, #tpu.memory_space<semaphore_mem>>
      %dma_start3A_50 = tpu.memref_slice %arg3[%mul3A_2] : memref<16384xi32, #tpu.memory_space<hbm>> -> memref<512xi32, #tpu.memory_space<hbm>>
      %dma_start3A_51 = tpu.memref_slice %arg3[%mul3A_2] : memref<16384xi32, #tpu.memory_space<hbm>> -> memref<512xi32, #tpu.memory_space<hbm>>
      tpu.enqueue_dma source(%dma_start3A_51 : memref<512xi32, #tpu.memory_space<hbm>>) target(%arg11 : memref<512xi32, #tpu.memory_space<vmem>>) target_semaphore(%run_scoped3A : memref<!tpu.dma_semaphore, #tpu.memory_space<semaphore_mem>>)
      %dma_wait3A_52 = tpu.memref_slice %arg3[%mul3A_2] : memref<16384xi32, #tpu.memory_space<hbm>> -> memref<512xi32, #tpu.memory_space<hbm>>
      %dma_wait3A_53 = tpu.memref_slice %arg3[%mul3A_2] : memref<16384xi32, #tpu.memory_space<hbm>> -> memref<512xi32, #tpu.memory_space<hbm>>
      tpu.wait_dma2 semaphore(%run_scoped3A : memref<!tpu.dma_semaphore, #tpu.memory_space<semaphore_mem>>) src(%dma_wait3A_53 : memref<512xi32, #tpu.memory_space<hbm>>) dst(%arg11 : memref<512xi32, #tpu.memory_space<vmem>>)
      tpu.yield
    }) : () -> ()
    %scan3A = arith.constant 0 : i32
    %scan3A_3 = arith.constant 0 : i32
    %scan3A_4 = arith.constant 32 : i32
    %scan3A_5 = arith.addi %scan3A_3, %scan3A_4 : i32
    %scan3A_6 = arith.constant 4 : i32
    %scan3A_7 = scf.for %scan3A_50 = %scan3A_3 to %scan3A_5 step %scan3A_6 iter_args(%scan3A_51 = %scan3A) -> (i32)  : i32 {
      %mul3A_52 = arith.constant 16 : i32
      %mul3A_53 = arith.muli %scan3A_50, %mul3A_52 : i32
      %get3A = arith.index_cast %mul3A_53 : i32 to index
      %get3A_54 = tpu.vector_load %arg11[%get3A] {strides = array<i32>} : memref<512xi32, #tpu.memory_space<vmem>>, vector<16xi32>,
      %get3A_55 = vector.shape_cast %get3A_54 : vector<16xi32> to vector<16xi32>
      %mul3A_56 = arith.constant 8 : i32
      %mul3A_57 = vector.broadcast %mul3A_56 : i32 to vector<16xi32>
      %mul3A_58 = arith.muli %get3A_55, %mul3A_57 : vector<16xi32>
      %swap3A = arith.index_cast %mul3A_53 : i32 to index
      %swap3A_59 = tpu.vector_load %arg13[%swap3A] {strides = array<i32>} : memref<512xi32, #tpu.memory_space<vmem>>, vector<16xi32>,
      %swap3A_60 = vector.shape_cast %swap3A_59 : vector<16xi32> to vector<16xi32>
      %swap3A_61 = vector.shape_cast %mul3A_58 : vector<16xi32> to vector<16xi32>
      tpu.vector_store %arg13[%swap3A], %swap3A_61 {strides = array<i32>} : memref<512xi32, #tpu.memory_space<vmem>>, vector<16xi32>,
      %scan3A_62 = arith.constant 0 : i32
      %scan3A_63 = arith.constant 1 : i32
      %scan3A_64 = arith.addi %scan3A_50, %scan3A_63 : i32
      %mul3A_65 = arith.constant 16 : i32
      %mul3A_66 = arith.muli %scan3A_64, %mul3A_65 : i32
      %get3A_67 = arith.index_cast %mul3A_66 : i32 to index
      %get3A_68 = tpu.vector_load %arg11[%get3A_67] {strides = array<i32>} : memref<512xi32, #tpu.memory_space<vmem>>, vector<16xi32>,
      %get3A_69 = vector.shape_cast %get3A_68 : vector<16xi32> to vector<16xi32>
      %mul3A_70 = arith.constant 8 : i32
      %mul3A_71 = vector.broadcast %mul3A_70 : i32 to vector<16xi32>
      %mul3A_72 = arith.muli %get3A_69, %mul3A_71 : vector<16xi32>
      %swap3A_73 = arith.index_cast %mul3A_66 : i32 to index
      %swap3A_74 = tpu.vector_load %arg13[%swap3A_73] {strides = array<i32>} : memref<512xi32, #tpu.memory_space<vmem>>, vector<16xi32>,
      %swap3A_75 = vector.shape_cast %swap3A_74 : vector<16xi32> to vector<16xi32>
      %swap3A_76 = vector.shape_cast %mul3A_72 : vector<16xi32> to vector<16xi32>
      tpu.vector_store %arg13[%swap3A_73], %swap3A_76 {strides = array<i32>} : memref<512xi32, #tpu.memory_space<vmem>>, vector<16xi32>,
      %scan3A_77 = arith.constant 0 : i32
      %scan3A_78 = arith.constant 2 : i32
      %scan3A_79 = arith.addi %scan3A_50, %scan3A_78 : i32
      %mul3A_80 = arith.constant 16 : i32
      %mul3A_81 = arith.muli %scan3A_79, %mul3A_80 : i32
      %get3A_82 = arith.index_cast %mul3A_81 : i32 to index
      %get3A_83 = tpu.vector_load %arg11[%get3A_82] {strides = array<i32>} : memref<512xi32, #tpu.memory_space<vmem>>, vector<16xi32>,
      %get3A_84 = vector.shape_cast %get3A_83 : vector<16xi32> to vector<16xi32>
      %mul3A_85 = arith.constant 8 : i32
      %mul3A_86 = vector.broadcast %mul3A_85 : i32 to vector<16xi32>
      %mul3A_87 = arith.muli %get3A_84, %mul3A_86 : vector<16xi32>
      %swap3A_88 = arith.index_cast %mul3A_81 : i32 to index
      %swap3A_89 = tpu.vector_load %arg13[%swap3A_88] {strides = array<i32>} : memref<512xi32, #tpu.memory_space<vmem>>, vector<16xi32>,
      %swap3A_90 = vector.shape_cast %swap3A_89 : vector<16xi32> to vector<16xi32>
      %swap3A_91 = vector.shape_cast %mul3A_87 : vector<16xi32> to vector<16xi32>
      tpu.vector_store %arg13[%swap3A_88], %swap3A_91 {strides = array<i32>} : memref<512xi32, #tpu.memory_space<vmem>>, vector<16xi32>,
      %scan3A_92 = arith.constant 0 : i32
      %scan3A_93 = arith.constant 3 : i32
      %scan3A_94 = arith.addi %scan3A_50, %scan3A_93 : i32
      %mul3A_95 = arith.constant 16 : i32
      %mul3A_96 = arith.muli %scan3A_94, %mul3A_95 : i32
      %get3A_97 = arith.index_cast %mul3A_96 : i32 to index
      %get3A_98 = tpu.vector_load %arg11[%get3A_97] {strides = array<i32>} : memref<512xi32, #tpu.memory_space<vmem>>, vector<16xi32>,
      %get3A_99 = vector.shape_cast %get3A_98 : vector<16xi32> to vector<16xi32>
      %mul3A_100 = arith.constant 8 : i32
      %mul3A_101 = vector.broadcast %mul3A_100 : i32 to vector<16xi32>
      %mul3A_102 = arith.muli %get3A_99, %mul3A_101 : vector<16xi32>
      %swap3A_103 = arith.index_cast %mul3A_96 : i32 to index
      %swap3A_104 = tpu.vector_load %arg13[%swap3A_103] {strides = array<i32>} : memref<512xi32, #tpu.memory_space<vmem>>, vector<16xi32>,
      %swap3A_105 = vector.shape_cast %swap3A_104 : vector<16xi32> to vector<16xi32>
      %swap3A_106 = vector.shape_cast %mul3A_102 : vector<16xi32> to vector<16xi32>
      tpu.vector_store %arg13[%swap3A_103], %swap3A_106 {strides = array<i32>} : memref<512xi32, #tpu.memory_space<vmem>>, vector<16xi32>,
      %scan3A_107 = arith.constant 0 : i32
      scf.yield %scan3A_107 : i32
    }
    %scan3A_8 = arith.constant 32 : i32
    %dma_start3A = arith.constant 0 : i32
    %dma_start3A_9 = arith.constant 0 : i32
    %dma_start3A_10 = tpu.memref_slice %arg6[%dma_start3A, %dma_start3A_9] : memref<1024x16xf32, #tpu.memory_space<hbm>> -> memref<1024x16xf32, #tpu.memory_space<hbm>>
    tpu.enqueue_indirect_dma source(%dma_start3A_10 : memref<1024x16xf32, #tpu.memory_space<hbm>>) target(%arg16 : memref<512x16xf32, #tpu.memory_space<vmem>>) offsets(%arg13 : memref<512xi32, #tpu.memory_space<vmem>>) semaphore(%arg20 : memref<!tpu.dma_semaphore, #tpu.memory_space<semaphore_mem>>)
    %scan3A_11 = arith.constant 0 : i32
    %scan3A_12 = arith.constant 0 : i32
    %scan3A_13 = arith.constant 32 : i32
    %scan3A_14 = arith.addi %scan3A_12, %scan3A_13 : i32
    %scan3A_15 = arith.constant 4 : i32
    %scan3A_16 = scf.for %scan3A_50 = %scan3A_12 to %scan3A_14 step %scan3A_15 iter_args(%scan3A_51 = %scan3A_11) -> (i32)  : i32 {
      %mul3A_52 = arith.constant 16 : i32
      %mul3A_53 = arith.muli %scan3A_50, %mul3A_52 : i32
      %get3A = arith.index_cast %mul3A_53 : i32 to index
      %get3A_54 = tpu.vector_load %arg10[%get3A] {strides = array<i32>} : memref<512xi32, #tpu.memory_space<vmem>>, vector<16xi32>,
      %get3A_55 = vector.shape_cast %get3A_54 : vector<16xi32> to vector<16xi32>
      %rem3A = arith.constant 6272 : i32
      %rem3A_56 = vector.broadcast %rem3A : i32 to vector<16xi32>
      %rem3A_57 = arith.remsi %get3A_55, %rem3A_56 : vector<16xi32>
      %mul3A_58 = arith.constant 8 : i32
      %mul3A_59 = vector.broadcast %mul3A_58 : i32 to vector<16xi32>
      %mul3A_60 = arith.muli %rem3A_57, %mul3A_59 : vector<16xi32>
      %div3A = arith.constant 6272 : i32
      %div3A_61 = vector.broadcast %div3A : i32 to vector<16xi32>
      %div3A_62 = arith.divsi %get3A_55, %div3A_61 : vector<16xi32>
      %add3A_63 = arith.addi %mul3A_60, %div3A_62 : vector<16xi32>
      %swap3A = arith.index_cast %mul3A_53 : i32 to index
      %swap3A_64 = tpu.vector_load %arg12[%swap3A] {strides = array<i32>} : memref<512xi32, #tpu.memory_space<vmem>>, vector<16xi32>,
      %swap3A_65 = vector.shape_cast %swap3A_64 : vector<16xi32> to vector<16xi32>
      %swap3A_66 = vector.shape_cast %add3A_63 : vector<16xi32> to vector<16xi32>
      tpu.vector_store %arg12[%swap3A], %swap3A_66 {strides = array<i32>} : memref<512xi32, #tpu.memory_space<vmem>>, vector<16xi32>,
      %scan3A_67 = arith.constant 0 : i32
      %scan3A_68 = arith.constant 1 : i32
      %scan3A_69 = arith.addi %scan3A_50, %scan3A_68 : i32
      %mul3A_70 = arith.constant 16 : i32
      %mul3A_71 = arith.muli %scan3A_69, %mul3A_70 : i32
      %get3A_72 = arith.index_cast %mul3A_71 : i32 to index
      %get3A_73 = tpu.vector_load %arg10[%get3A_72] {strides = array<i32>} : memref<512xi32, #tpu.memory_space<vmem>>, vector<16xi32>,
      %get3A_74 = vector.shape_cast %get3A_73 : vector<16xi32> to vector<16xi32>
      %rem3A_75 = arith.constant 6272 : i32
      %rem3A_76 = vector.broadcast %rem3A_75 : i32 to vector<16xi32>
      %rem3A_77 = arith.remsi %get3A_74, %rem3A_76 : vector<16xi32>
      %mul3A_78 = arith.constant 8 : i32
      %mul3A_79 = vector.broadcast %mul3A_78 : i32 to vector<16xi32>
      %mul3A_80 = arith.muli %rem3A_77, %mul3A_79 : vector<16xi32>
      %div3A_81 = arith.constant 6272 : i32
      %div3A_82 = vector.broadcast %div3A_81 : i32 to vector<16xi32>
      %div3A_83 = arith.divsi %get3A_74, %div3A_82 : vector<16xi32>
      %add3A_84 = arith.addi %mul3A_80, %div3A_83 : vector<16xi32>
      %swap3A_85 = arith.index_cast %mul3A_71 : i32 to index
      %swap3A_86 = tpu.vector_load %arg12[%swap3A_85] {strides = array<i32>} : memref<512xi32, #tpu.memory_space<vmem>>, vector<16xi32>,
      %swap3A_87 = vector.shape_cast %swap3A_86 : vector<16xi32> to vector<16xi32>
      %swap3A_88 = vector.shape_cast %add3A_84 : vector<16xi32> to vector<16xi32>
      tpu.vector_store %arg12[%swap3A_85], %swap3A_88 {strides = array<i32>} : memref<512xi32, #tpu.memory_space<vmem>>, vector<16xi32>,
      %scan3A_89 = arith.constant 0 : i32
      %scan3A_90 = arith.constant 2 : i32
      %scan3A_91 = arith.addi %scan3A_50, %scan3A_90 : i32
      %mul3A_92 = arith.constant 16 : i32
      %mul3A_93 = arith.muli %scan3A_91, %mul3A_92 : i32
      %get3A_94 = arith.index_cast %mul3A_93 : i32 to index
      %get3A_95 = tpu.vector_load %arg10[%get3A_94] {strides = array<i32>} : memref<512xi32, #tpu.memory_space<vmem>>, vector<16xi32>,
      %get3A_96 = vector.shape_cast %get3A_95 : vector<16xi32> to vector<16xi32>
      %rem3A_97 = arith.constant 6272 : i32
      %rem3A_98 = vector.broadcast %rem3A_97 : i32 to vector<16xi32>
      %rem3A_99 = arith.remsi %get3A_96, %rem3A_98 : vector<16xi32>
      %mul3A_100 = arith.constant 8 : i32
      %mul3A_101 = vector.broadcast %mul3A_100 : i32 to vector<16xi32>
      %mul3A_102 = arith.muli %rem3A_99, %mul3A_101 : vector<16xi32>
      %div3A_103 = arith.constant 6272 : i32
      %div3A_104 = vector.broadcast %div3A_103 : i32 to vector<16xi32>
      %div3A_105 = arith.divsi %get3A_96, %div3A_104 : vector<16xi32>
      %add3A_106 = arith.addi %mul3A_102, %div3A_105 : vector<16xi32>
      %swap3A_107 = arith.index_cast %mul3A_93 : i32 to index
      %swap3A_108 = tpu.vector_load %arg12[%swap3A_107] {strides = array<i32>} : memref<512xi32, #tpu.memory_space<vmem>>, vector<16xi32>,
      %swap3A_109 = vector.shape_cast %swap3A_108 : vector<16xi32> to vector<16xi32>
      %swap3A_110 = vector.shape_cast %add3A_106 : vector<16xi32> to vector<16xi32>
      tpu.vector_store %arg12[%swap3A_107], %swap3A_110 {strides = array<i32>} : memref<512xi32, #tpu.memory_space<vmem>>, vector<16xi32>,
      %scan3A_111 = arith.constant 0 : i32
      %scan3A_112 = arith.constant 3 : i32
      %scan3A_113 = arith.addi %scan3A_50, %scan3A_112 : i32
      %mul3A_114 = arith.constant 16 : i32
      %mul3A_115 = arith.muli %scan3A_113, %mul3A_114 : i32
      %get3A_116 = arith.index_cast %mul3A_115 : i32 to index
      %get3A_117 = tpu.vector_load %arg10[%get3A_116] {strides = array<i32>} : memref<512xi32, #tpu.memory_space<vmem>>, vector<16xi32>,
      %get3A_118 = vector.shape_cast %get3A_117 : vector<16xi32> to vector<16xi32>
      %rem3A_119 = arith.constant 6272 : i32
      %rem3A_120 = vector.broadcast %rem3A_119 : i32 to vector<16xi32>
      %rem3A_121 = arith.remsi %get3A_118, %rem3A_120 : vector<16xi32>
      %mul3A_122 = arith.constant 8 : i32
      %mul3A_123 = vector.broadcast %mul3A_122 : i32 to vector<16xi32>
      %mul3A_124 = arith.muli %rem3A_121, %mul3A_123 : vector<16xi32>
      %div3A_125 = arith.constant 6272 : i32
      %div3A_126 = vector.broadcast %div3A_125 : i32 to vector<16xi32>
      %div3A_127 = arith.divsi %get3A_118, %div3A_126 : vector<16xi32>
      %add3A_128 = arith.addi %mul3A_124, %div3A_127 : vector<16xi32>
      %swap3A_129 = arith.index_cast %mul3A_115 : i32 to index
      %swap3A_130 = tpu.vector_load %arg12[%swap3A_129] {strides = array<i32>} : memref<512xi32, #tpu.memory_space<vmem>>, vector<16xi32>,
      %swap3A_131 = vector.shape_cast %swap3A_130 : vector<16xi32> to vector<16xi32>
      %swap3A_132 = vector.shape_cast %add3A_128 : vector<16xi32> to vector<16xi32>
      tpu.vector_store %arg12[%swap3A_129], %swap3A_132 {strides = array<i32>} : memref<512xi32, #tpu.memory_space<vmem>>, vector<16xi32>,
      %scan3A_133 = arith.constant 0 : i32
      scf.yield %scan3A_133 : i32
    }
    %scan3A_17 = arith.constant 32 : i32
    %dma_start3A_18 = arith.constant 0 : i32
    %dma_start3A_19 = arith.constant 0 : i32
    %dma_start3A_20 = tpu.memref_slice %arg5[%dma_start3A_18, %dma_start3A_19] : memref<50176x16xf32, #tpu.memory_space<hbm>> -> memref<50176x16xf32, #tpu.memory_space<hbm>>
    tpu.enqueue_indirect_dma source(%dma_start3A_20 : memref<50176x16xf32, #tpu.memory_space<hbm>>) target(%arg15 : memref<512x16xf32, #tpu.memory_space<vmem>>) offsets(%arg12 : memref<512xi32, #tpu.memory_space<vmem>>) semaphore(%arg19 : memref<!tpu.dma_semaphore, #tpu.memory_space<semaphore_mem>>)
    %iota3A = tpu.iota {dimensions = array<i32: 0>} : vector<16xi32>
    %and3A = arith.constant 7 : i32
    %and3A_21 = vector.broadcast %and3A : i32 to vector<16xi32>
    %and3A_22 = arith.andi %iota3A, %and3A_21 : vector<16xi32>
    %shift_right_arithmetic3A = arith.constant 3 : i32
    %shift_right_arithmetic3A_23 = vector.broadcast %shift_right_arithmetic3A : i32 to vector<16xi32>
    %shift_right_arithmetic3A_24 = arith.shrsi %iota3A, %shift_right_arithmetic3A_23 : vector<16xi32>
    %scan3A_25 = arith.constant 0 : i32
    %scan3A_26 = arith.constant 0 : i32
    %scan3A_27 = arith.constant 256 : i32
    %scan3A_28 = arith.addi %scan3A_26, %scan3A_27 : i32
    %scan3A_29 = arith.constant 4 : i32
    %scan3A_30 = scf.for %scan3A_50 = %scan3A_26 to %scan3A_28 step %scan3A_29 iter_args(%scan3A_51 = %scan3A_25) -> (i32)  : i32 {
      %shift_right_arithmetic3A_52 = arith.constant 3 : i32
      %shift_right_arithmetic3A_53 = arith.shrsi %scan3A_50, %shift_right_arithmetic3A_52 : i32
      %mul3A_54 = arith.constant 16 : i32
      %mul3A_55 = arith.muli %shift_right_arithmetic3A_53, %mul3A_54 : i32
      %and3A_56 = arith.constant 7 : i32
      %and3A_57 = arith.andi %scan3A_50, %and3A_56 : i32
      %mul3A_58 = arith.constant 2 : i32
      %mul3A_59 = arith.muli %and3A_57, %mul3A_58 : i32
      %add3A_60 = vector.broadcast %mul3A_59 : i32 to vector<16xi32>
      %add3A_61 = arith.addi %shift_right_arithmetic3A_24, %add3A_60 : vector<16xi32>
      %get3A = arith.index_cast %mul3A_55 : i32 to index
      %get3A_62 = tpu.vector_load %arg10[%get3A] {strides = array<i32>} : memref<512xi32, #tpu.memory_space<vmem>>, vector<16xi32>,
      %get3A_63 = vector.shape_cast %get3A_62 : vector<16xi32> to vector<16xi32>
      %reshape3A = vector.shape_cast %add3A_61 : vector<16xi32> to vector<16x1xi32>
      %gather3A = vector.shape_cast %reshape3A : vector<16x1xi32> to vector<16xi32>
      %gather3A_64 = tpu.dynamic_gather %get3A_63[%gather3A] in [0] : vector<16xi32>, vector<16xi32> -> vector<16xi32>
      %get3A_65 = arith.index_cast %mul3A_55 : i32 to index
      %get3A_66 = tpu.vector_load %arg11[%get3A_65] {strides = array<i32>} : memref<512xi32, #tpu.memory_space<vmem>>, vector<16xi32>,
      %get3A_67 = vector.shape_cast %get3A_66 : vector<16xi32> to vector<16xi32>
      %reshape3A_68 = vector.shape_cast %add3A_61 : vector<16xi32> to vector<16x1xi32>
      %gather3A_69 = vector.shape_cast %reshape3A_68 : vector<16x1xi32> to vector<16xi32>
      %gather3A_70 = tpu.dynamic_gather %get3A_67[%gather3A_69] in [0] : vector<16xi32>, vector<16xi32> -> vector<16xi32>
      %mul3A_71 = arith.constant 1024 : i32
      %mul3A_72 = vector.broadcast %mul3A_71 : i32 to vector<16xi32>
      %mul3A_73 = arith.muli %gather3A_64, %mul3A_72 : vector<16xi32>
      %mul3A_74 = arith.constant 128 : i32
      %mul3A_75 = vector.broadcast %mul3A_74 : i32 to vector<16xi32>
      %mul3A_76 = arith.muli %and3A_22, %mul3A_75 : vector<16xi32>
      %add3A_77 = arith.addi %mul3A_73, %mul3A_76 : vector<16xi32>
      %add3A_78 = arith.addi %add3A_77, %gather3A_70 : vector<16xi32>
      %mul3A_79 = arith.constant 16 : i32
      %mul3A_80 = arith.muli %scan3A_50, %mul3A_79 : i32
      %swap3A = arith.index_cast %mul3A_80 : i32 to index
      %swap3A_81 = tpu.vector_load %arg14[%swap3A] {strides = array<i32>} : memref<4096xi32, #tpu.memory_space<vmem>>, vector<16xi32>,
      %swap3A_82 = vector.shape_cast %swap3A_81 : vector<16xi32> to vector<16xi32>
      %swap3A_83 = vector.shape_cast %add3A_78 : vector<16xi32> to vector<16xi32>
      tpu.vector_store %arg14[%swap3A], %swap3A_83 {strides = array<i32>} : memref<4096xi32, #tpu.memory_space<vmem>>, vector<16xi32>,
      %scan3A_84 = arith.constant 0 : i32
      %scan3A_85 = arith.constant 1 : i32
      %scan3A_86 = arith.addi %scan3A_50, %scan3A_85 : i32
      %shift_right_arithmetic3A_87 = arith.constant 3 : i32
      %shift_right_arithmetic3A_88 = arith.shrsi %scan3A_86, %shift_right_arithmetic3A_87 : i32
      %mul3A_89 = arith.constant 16 : i32
      %mul3A_90 = arith.muli %shift_right_arithmetic3A_88, %mul3A_89 : i32
      %and3A_91 = arith.constant 7 : i32
      %and3A_92 = arith.andi %scan3A_86, %and3A_91 : i32
      %mul3A_93 = arith.constant 2 : i32
      %mul3A_94 = arith.muli %and3A_92, %mul3A_93 : i32
      %add3A_95 = vector.broadcast %mul3A_94 : i32 to vector<16xi32>
      %add3A_96 = arith.addi %shift_right_arithmetic3A_24, %add3A_95 : vector<16xi32>
      %get3A_97 = arith.index_cast %mul3A_90 : i32 to index
      %get3A_98 = tpu.vector_load %arg10[%get3A_97] {strides = array<i32>} : memref<512xi32, #tpu.memory_space<vmem>>, vector<16xi32>,
      %get3A_99 = vector.shape_cast %get3A_98 : vector<16xi32> to vector<16xi32>
      %reshape3A_100 = vector.shape_cast %add3A_96 : vector<16xi32> to vector<16x1xi32>
      %gather3A_101 = vector.shape_cast %reshape3A_100 : vector<16x1xi32> to vector<16xi32>
      %gather3A_102 = tpu.dynamic_gather %get3A_99[%gather3A_101] in [0] : vector<16xi32>, vector<16xi32> -> vector<16xi32>
      %get3A_103 = arith.index_cast %mul3A_90 : i32 to index
      %get3A_104 = tpu.vector_load %arg11[%get3A_103] {strides = array<i32>} : memref<512xi32, #tpu.memory_space<vmem>>, vector<16xi32>,
      %get3A_105 = vector.shape_cast %get3A_104 : vector<16xi32> to vector<16xi32>
      %reshape3A_106 = vector.shape_cast %add3A_96 : vector<16xi32> to vector<16x1xi32>
      %gather3A_107 = vector.shape_cast %reshape3A_106 : vector<16x1xi32> to vector<16xi32>
      %gather3A_108 = tpu.dynamic_gather %get3A_105[%gather3A_107] in [0] : vector<16xi32>, vector<16xi32> -> vector<16xi32>
      %mul3A_109 = arith.constant 1024 : i32
      %mul3A_110 = vector.broadcast %mul3A_109 : i32 to vector<16xi32>
      %mul3A_111 = arith.muli %gather3A_102, %mul3A_110 : vector<16xi32>
      %mul3A_112 = arith.constant 128 : i32
      %mul3A_113 = vector.broadcast %mul3A_112 : i32 to vector<16xi32>
      %mul3A_114 = arith.muli %and3A_22, %mul3A_113 : vector<16xi32>
      %add3A_115 = arith.addi %mul3A_111, %mul3A_114 : vector<16xi32>
      %add3A_116 = arith.addi %add3A_115, %gather3A_108 : vector<16xi32>
      %mul3A_117 = arith.constant 16 : i32
      %mul3A_118 = arith.muli %scan3A_86, %mul3A_117 : i32
      %swap3A_119 = arith.index_cast %mul3A_118 : i32 to index
      %swap3A_120 = tpu.vector_load %arg14[%swap3A_119] {strides = array<i32>} : memref<4096xi32, #tpu.memory_space<vmem>>, vector<16xi32>,
      %swap3A_121 = vector.shape_cast %swap3A_120 : vector<16xi32> to vector<16xi32>
      %swap3A_122 = vector.shape_cast %add3A_116 : vector<16xi32> to vector<16xi32>
      tpu.vector_store %arg14[%swap3A_119], %swap3A_122 {strides = array<i32>} : memref<4096xi32, #tpu.memory_space<vmem>>, vector<16xi32>,
      %scan3A_123 = arith.constant 0 : i32
      %scan3A_124 = arith.constant 2 : i32
      %scan3A_125 = arith.addi %scan3A_50, %scan3A_124 : i32
      %shift_right_arithmetic3A_126 = arith.constant 3 : i32
      %shift_right_arithmetic3A_127 = arith.shrsi %scan3A_125, %shift_right_arithmetic3A_126 : i32
      %mul3A_128 = arith.constant 16 : i32
      %mul3A_129 = arith.muli %shift_right_arithmetic3A_127, %mul3A_128 : i32
      %and3A_130 = arith.constant 7 : i32
      %and3A_131 = arith.andi %scan3A_125, %and3A_130 : i32
      %mul3A_132 = arith.constant 2 : i32
      %mul3A_133 = arith.muli %and3A_131, %mul3A_132 : i32
      %add3A_134 = vector.broadcast %mul3A_133 : i32 to vector<16xi32>
      %add3A_135 = arith.addi %shift_right_arithmetic3A_24, %add3A_134 : vector<16xi32>
      %get3A_136 = arith.index_cast %mul3A_129 : i32 to index
      %get3A_137 = tpu.vector_load %arg10[%get3A_136] {strides = array<i32>} : memref<512xi32, #tpu.memory_space<vmem>>, vector<16xi32>,
      %get3A_138 = vector.shape_cast %get3A_137 : vector<16xi32> to vector<16xi32>
      %reshape3A_139 = vector.shape_cast %add3A_135 : vector<16xi32> to vector<16x1xi32>
      %gather3A_140 = vector.shape_cast %reshape3A_139 : vector<16x1xi32> to vector<16xi32>
      %gather3A_141 = tpu.dynamic_gather %get3A_138[%gather3A_140] in [0] : vector<16xi32>, vector<16xi32> -> vector<16xi32>
      %get3A_142 = arith.index_cast %mul3A_129 : i32 to index
      %get3A_143 = tpu.vector_load %arg11[%get3A_142] {strides = array<i32>} : memref<512xi32, #tpu.memory_space<vmem>>, vector<16xi32>,
      %get3A_144 = vector.shape_cast %get3A_143 : vector<16xi32> to vector<16xi32>
      %reshape3A_145 = vector.shape_cast %add3A_135 : vector<16xi32> to vector<16x1xi32>
      %gather3A_146 = vector.shape_cast %reshape3A_145 : vector<16x1xi32> to vector<16xi32>
      %gather3A_147 = tpu.dynamic_gather %get3A_144[%gather3A_146] in [0] : vector<16xi32>, vector<16xi32> -> vector<16xi32>
      %mul3A_148 = arith.constant 1024 : i32
      %mul3A_149 = vector.broadcast %mul3A_148 : i32 to vector<16xi32>
      %mul3A_150 = arith.muli %gather3A_141, %mul3A_149 : vector<16xi32>
      %mul3A_151 = arith.constant 128 : i32
      %mul3A_152 = vector.broadcast %mul3A_151 : i32 to vector<16xi32>
      %mul3A_153 = arith.muli %and3A_22, %mul3A_152 : vector<16xi32>
      %add3A_154 = arith.addi %mul3A_150, %mul3A_153 : vector<16xi32>
      %add3A_155 = arith.addi %add3A_154, %gather3A_147 : vector<16xi32>
      %mul3A_156 = arith.constant 16 : i32
      %mul3A_157 = arith.muli %scan3A_125, %mul3A_156 : i32
      %swap3A_158 = arith.index_cast %mul3A_157 : i32 to index
      %swap3A_159 = tpu.vector_load %arg14[%swap3A_158] {strides = array<i32>} : memref<4096xi32, #tpu.memory_space<vmem>>, vector<16xi32>,
      %swap3A_160 = vector.shape_cast %swap3A_159 : vector<16xi32> to vector<16xi32>
      %swap3A_161 = vector.shape_cast %add3A_155 : vector<16xi32> to vector<16xi32>
      tpu.vector_store %arg14[%swap3A_158], %swap3A_161 {strides = array<i32>} : memref<4096xi32, #tpu.memory_space<vmem>>, vector<16xi32>,
      %scan3A_162 = arith.constant 0 : i32
      %scan3A_163 = arith.constant 3 : i32
      %scan3A_164 = arith.addi %scan3A_50, %scan3A_163 : i32
      %shift_right_arithmetic3A_165 = arith.constant 3 : i32
      %shift_right_arithmetic3A_166 = arith.shrsi %scan3A_164, %shift_right_arithmetic3A_165 : i32
      %mul3A_167 = arith.constant 16 : i32
      %mul3A_168 = arith.muli %shift_right_arithmetic3A_166, %mul3A_167 : i32
      %and3A_169 = arith.constant 7 : i32
      %and3A_170 = arith.andi %scan3A_164, %and3A_169 : i32
      %mul3A_171 = arith.constant 2 : i32
      %mul3A_172 = arith.muli %and3A_170, %mul3A_171 : i32
      %add3A_173 = vector.broadcast %mul3A_172 : i32 to vector<16xi32>
      %add3A_174 = arith.addi %shift_right_arithmetic3A_24, %add3A_173 : vector<16xi32>
      %get3A_175 = arith.index_cast %mul3A_168 : i32 to index
      %get3A_176 = tpu.vector_load %arg10[%get3A_175] {strides = array<i32>} : memref<512xi32, #tpu.memory_space<vmem>>, vector<16xi32>,
      %get3A_177 = vector.shape_cast %get3A_176 : vector<16xi32> to vector<16xi32>
      %reshape3A_178 = vector.shape_cast %add3A_174 : vector<16xi32> to vector<16x1xi32>
      %gather3A_179 = vector.shape_cast %reshape3A_178 : vector<16x1xi32> to vector<16xi32>
      %gather3A_180 = tpu.dynamic_gather %get3A_177[%gather3A_179] in [0] : vector<16xi32>, vector<16xi32> -> vector<16xi32>
      %get3A_181 = arith.index_cast %mul3A_168 : i32 to index
      %get3A_182 = tpu.vector_load %arg11[%get3A_181] {strides = array<i32>} : memref<512xi32, #tpu.memory_space<vmem>>, vector<16xi32>,
      %get3A_183 = vector.shape_cast %get3A_182 : vector<16xi32> to vector<16xi32>
      %reshape3A_184 = vector.shape_cast %add3A_174 : vector<16xi32> to vector<16x1xi32>
      %gather3A_185 = vector.shape_cast %reshape3A_184 : vector<16x1xi32> to vector<16xi32>
      %gather3A_186 = tpu.dynamic_gather %get3A_183[%gather3A_185] in [0] : vector<16xi32>, vector<16xi32> -> vector<16xi32>
      %mul3A_187 = arith.constant 1024 : i32
      %mul3A_188 = vector.broadcast %mul3A_187 : i32 to vector<16xi32>
      %mul3A_189 = arith.muli %gather3A_180, %mul3A_188 : vector<16xi32>
      %mul3A_190 = arith.constant 128 : i32
      %mul3A_191 = vector.broadcast %mul3A_190 : i32 to vector<16xi32>
      %mul3A_192 = arith.muli %and3A_22, %mul3A_191 : vector<16xi32>
      %add3A_193 = arith.addi %mul3A_189, %mul3A_192 : vector<16xi32>
      %add3A_194 = arith.addi %add3A_193, %gather3A_186 : vector<16xi32>
      %mul3A_195 = arith.constant 16 : i32
      %mul3A_196 = arith.muli %scan3A_164, %mul3A_195 : i32
      %swap3A_197 = arith.index_cast %mul3A_196 : i32 to index
      %swap3A_198 = tpu.vector_load %arg14[%swap3A_197] {strides = array<i32>} : memref<4096xi32, #tpu.memory_space<vmem>>, vector<16xi32>,
      %swap3A_199 = vector.shape_cast %swap3A_198 : vector<16xi32> to vector<16xi32>
      %swap3A_200 = vector.shape_cast %add3A_194 : vector<16xi32> to vector<16xi32>
      tpu.vector_store %arg14[%swap3A_197], %swap3A_200 {strides = array<i32>} : memref<4096xi32, #tpu.memory_space<vmem>>, vector<16xi32>,
      %scan3A_201 = arith.constant 0 : i32
      scf.yield %scan3A_201 : i32
    }
    %scan3A_31 = arith.constant 256 : i32
    %dma_start3A_32 = arith.constant 0 : i32
    %dma_start3A_33 = tpu.memref_slice %arg4[%dma_start3A_32] : memref<51200000xf32, #tpu.memory_space<hbm>> -> memref<51200000xf32, #tpu.memory_space<hbm>>
    tpu.enqueue_indirect_dma source(%dma_start3A_33 : memref<51200000xf32, #tpu.memory_space<hbm>>) target(%arg17 : memref<4096xf32, #tpu.memory_space<vmem>>) offsets(%arg14 : memref<4096xi32, #tpu.memory_space<vmem>>) semaphore(%arg19 : memref<!tpu.dma_semaphore, #tpu.memory_space<semaphore_mem>>)
    %dma_wait3A = arith.constant 0 : i32
    %dma_wait3A_34 = arith.constant 0 : i32
    %dma_wait3A_35 = tpu.memref_slice %arg5[%dma_wait3A, %dma_wait3A_34] : memref<50176x16xf32, #tpu.memory_space<hbm>> -> memref<50176x16xf32, #tpu.memory_space<hbm>>
    tpu.wait_indirect_dma semaphore(%arg19 : memref<!tpu.dma_semaphore, #tpu.memory_space<semaphore_mem>>) src(%dma_wait3A_35 : memref<50176x16xf32, #tpu.memory_space<hbm>>) dst(%arg15 : memref<512x16xf32, #tpu.memory_space<vmem>>)
    %dma_wait3A_36 = arith.constant 0 : i32
    %dma_wait3A_37 = arith.constant 0 : i32
    %dma_wait3A_38 = tpu.memref_slice %arg6[%dma_wait3A_36, %dma_wait3A_37] : memref<1024x16xf32, #tpu.memory_space<hbm>> -> memref<1024x16xf32, #tpu.memory_space<hbm>>
    tpu.wait_indirect_dma semaphore(%arg20 : memref<!tpu.dma_semaphore, #tpu.memory_space<semaphore_mem>>) src(%dma_wait3A_38 : memref<1024x16xf32, #tpu.memory_space<hbm>>) dst(%arg16 : memref<512x16xf32, #tpu.memory_space<vmem>>)
    %scan3A_39 = arith.constant 0 : i32
    %scan3A_40 = arith.constant 0 : i32
    %scan3A_41 = arith.constant 512 : i32
    %scan3A_42 = arith.addi %scan3A_40, %scan3A_41 : i32
    %scan3A_43 = arith.constant 8 : i32
    %scan3A_44 = scf.for %scan3A_50 = %scan3A_40 to %scan3A_42 step %scan3A_43 iter_args(%scan3A_51 = %scan3A_39) -> (i32)  : i32 {
      %get3A = arith.index_cast %scan3A_50 : i32 to index
      %get3A_52 = arith.constant 0 : index
      %get3A_53 = tpu.vector_load %arg15[%get3A, %get3A_52] {strides = array<i32>} : memref<512x16xf32, #tpu.memory_space<vmem>>, vector<1x16xf32>,
      %get3A_54 = vector.shape_cast %get3A_53 : vector<1x16xf32> to vector<16xf32>
      %get3A_55 = arith.index_cast %scan3A_50 : i32 to index
      %get3A_56 = arith.constant 0 : index
      %get3A_57 = tpu.vector_load %arg16[%get3A_55, %get3A_56] {strides = array<i32>} : memref<512x16xf32, #tpu.memory_space<vmem>>, vector<1x16xf32>,
      %get3A_58 = vector.shape_cast %get3A_57 : vector<1x16xf32> to vector<16xf32>
      %mul3A_59 = arith.mulf %get3A_54, %get3A_58 : vector<16xf32>
      %swap3A = arith.index_cast %scan3A_50 : i32 to index
      %swap3A_60 = arith.constant 0 : index
      %swap3A_61 = tpu.vector_load %arg18[%swap3A, %swap3A_60] {strides = array<i32>} : memref<512x16xf32, #tpu.memory_space<vmem>>, vector<1x16xf32>,
      %swap3A_62 = vector.shape_cast %swap3A_61 : vector<1x16xf32> to vector<16xf32>
      %swap3A_63 = vector.shape_cast %mul3A_59 : vector<16xf32> to vector<1x16xf32>
      tpu.vector_store %arg18[%swap3A, %swap3A_60], %swap3A_63 {strides = array<i32>} : memref<512x16xf32, #tpu.memory_space<vmem>>, vector<1x16xf32>,
      %scan3A_64 = arith.constant 0 : i32
      %scan3A_65 = arith.constant 1 : i32
      %scan3A_66 = arith.addi %scan3A_50, %scan3A_65 : i32
      %get3A_67 = arith.index_cast %scan3A_66 : i32 to index
      %get3A_68 = arith.constant 0 : index
      %get3A_69 = tpu.vector_load %arg15[%get3A_67, %get3A_68] {strides = array<i32>} : memref<512x16xf32, #tpu.memory_space<vmem>>, vector<1x16xf32>,
      %get3A_70 = vector.shape_cast %get3A_69 : vector<1x16xf32> to vector<16xf32>
      %get3A_71 = arith.index_cast %scan3A_66 : i32 to index
      %get3A_72 = arith.constant 0 : index
      %get3A_73 = tpu.vector_load %arg16[%get3A_71, %get3A_72] {strides = array<i32>} : memref<512x16xf32, #tpu.memory_space<vmem>>, vector<1x16xf32>,
      %get3A_74 = vector.shape_cast %get3A_73 : vector<1x16xf32> to vector<16xf32>
      %mul3A_75 = arith.mulf %get3A_70, %get3A_74 : vector<16xf32>
      %swap3A_76 = arith.index_cast %scan3A_66 : i32 to index
      %swap3A_77 = arith.constant 0 : index
      %swap3A_78 = tpu.vector_load %arg18[%swap3A_76, %swap3A_77] {strides = array<i32>} : memref<512x16xf32, #tpu.memory_space<vmem>>, vector<1x16xf32>,
      %swap3A_79 = vector.shape_cast %swap3A_78 : vector<1x16xf32> to vector<16xf32>
      %swap3A_80 = vector.shape_cast %mul3A_75 : vector<16xf32> to vector<1x16xf32>
      tpu.vector_store %arg18[%swap3A_76, %swap3A_77], %swap3A_80 {strides = array<i32>} : memref<512x16xf32, #tpu.memory_space<vmem>>, vector<1x16xf32>,
      %scan3A_81 = arith.constant 0 : i32
      %scan3A_82 = arith.constant 2 : i32
      %scan3A_83 = arith.addi %scan3A_50, %scan3A_82 : i32
      %get3A_84 = arith.index_cast %scan3A_83 : i32 to index
      %get3A_85 = arith.constant 0 : index
      %get3A_86 = tpu.vector_load %arg15[%get3A_84, %get3A_85] {strides = array<i32>} : memref<512x16xf32, #tpu.memory_space<vmem>>, vector<1x16xf32>,
      %get3A_87 = vector.shape_cast %get3A_86 : vector<1x16xf32> to vector<16xf32>
      %get3A_88 = arith.index_cast %scan3A_83 : i32 to index
      %get3A_89 = arith.constant 0 : index
      %get3A_90 = tpu.vector_load %arg16[%get3A_88, %get3A_89] {strides = array<i32>} : memref<512x16xf32, #tpu.memory_space<vmem>>, vector<1x16xf32>,
      %get3A_91 = vector.shape_cast %get3A_90 : vector<1x16xf32> to vector<16xf32>
      %mul3A_92 = arith.mulf %get3A_87, %get3A_91 : vector<16xf32>
      %swap3A_93 = arith.index_cast %scan3A_83 : i32 to index
      %swap3A_94 = arith.constant 0 : index
      %swap3A_95 = tpu.vector_load %arg18[%swap3A_93, %swap3A_94] {strides = array<i32>} : memref<512x16xf32, #tpu.memory_space<vmem>>, vector<1x16xf32>,
      %swap3A_96 = vector.shape_cast %swap3A_95 : vector<1x16xf32> to vector<16xf32>
      %swap3A_97 = vector.shape_cast %mul3A_92 : vector<16xf32> to vector<1x16xf32>
      tpu.vector_store %arg18[%swap3A_93, %swap3A_94], %swap3A_97 {strides = array<i32>} : memref<512x16xf32, #tpu.memory_space<vmem>>, vector<1x16xf32>,
      %scan3A_98 = arith.constant 0 : i32
      %scan3A_99 = arith.constant 3 : i32
      %scan3A_100 = arith.addi %scan3A_50, %scan3A_99 : i32
      %get3A_101 = arith.index_cast %scan3A_100 : i32 to index
      %get3A_102 = arith.constant 0 : index
      %get3A_103 = tpu.vector_load %arg15[%get3A_101, %get3A_102] {strides = array<i32>} : memref<512x16xf32, #tpu.memory_space<vmem>>, vector<1x16xf32>,
      %get3A_104 = vector.shape_cast %get3A_103 : vector<1x16xf32> to vector<16xf32>
      %get3A_105 = arith.index_cast %scan3A_100 : i32 to index
      %get3A_106 = arith.constant 0 : index
      %get3A_107 = tpu.vector_load %arg16[%get3A_105, %get3A_106] {strides = array<i32>} : memref<512x16xf32, #tpu.memory_space<vmem>>, vector<1x16xf32>,
      %get3A_108 = vector.shape_cast %get3A_107 : vector<1x16xf32> to vector<16xf32>
      %mul3A_109 = arith.mulf %get3A_104, %get3A_108 : vector<16xf32>
      %swap3A_110 = arith.index_cast %scan3A_100 : i32 to index
      %swap3A_111 = arith.constant 0 : index
      %swap3A_112 = tpu.vector_load %arg18[%swap3A_110, %swap3A_111] {strides = array<i32>} : memref<512x16xf32, #tpu.memory_space<vmem>>, vector<1x16xf32>,
      %swap3A_113 = vector.shape_cast %swap3A_112 : vector<1x16xf32> to vector<16xf32>
      %swap3A_114 = vector.shape_cast %mul3A_109 : vector<16xf32> to vector<1x16xf32>
      tpu.vector_store %arg18[%swap3A_110, %swap3A_111], %swap3A_114 {strides = array<i32>} : memref<512x16xf32, #tpu.memory_space<vmem>>, vector<1x16xf32>,
      %scan3A_115 = arith.constant 0 : i32
      %scan3A_116 = arith.constant 4 : i32
      %scan3A_117 = arith.addi %scan3A_50, %scan3A_116 : i32
      %get3A_118 = arith.index_cast %scan3A_117 : i32 to index
      %get3A_119 = arith.constant 0 : index
      %get3A_120 = tpu.vector_load %arg15[%get3A_118, %get3A_119] {strides = array<i32>} : memref<512x16xf32, #tpu.memory_space<vmem>>, vector<1x16xf32>,
      %get3A_121 = vector.shape_cast %get3A_120 : vector<1x16xf32> to vector<16xf32>
      %get3A_122 = arith.index_cast %scan3A_117 : i32 to index
      %get3A_123 = arith.constant 0 : index
      %get3A_124 = tpu.vector_load %arg16[%get3A_122, %get3A_123] {strides = array<i32>} : memref<512x16xf32, #tpu.memory_space<vmem>>, vector<1x16xf32>,
      %get3A_125 = vector.shape_cast %get3A_124 : vector<1x16xf32> to vector<16xf32>
      %mul3A_126 = arith.mulf %get3A_121, %get3A_125 : vector<16xf32>
      %swap3A_127 = arith.index_cast %scan3A_117 : i32 to index
      %swap3A_128 = arith.constant 0 : index
      %swap3A_129 = tpu.vector_load %arg18[%swap3A_127, %swap3A_128] {strides = array<i32>} : memref<512x16xf32, #tpu.memory_space<vmem>>, vector<1x16xf32>,
      %swap3A_130 = vector.shape_cast %swap3A_129 : vector<1x16xf32> to vector<16xf32>
      %swap3A_131 = vector.shape_cast %mul3A_126 : vector<16xf32> to vector<1x16xf32>
      tpu.vector_store %arg18[%swap3A_127, %swap3A_128], %swap3A_131 {strides = array<i32>} : memref<512x16xf32, #tpu.memory_space<vmem>>, vector<1x16xf32>,
      %scan3A_132 = arith.constant 0 : i32
      %scan3A_133 = arith.constant 5 : i32
      %scan3A_134 = arith.addi %scan3A_50, %scan3A_133 : i32
      %get3A_135 = arith.index_cast %scan3A_134 : i32 to index
      %get3A_136 = arith.constant 0 : index
      %get3A_137 = tpu.vector_load %arg15[%get3A_135, %get3A_136] {strides = array<i32>} : memref<512x16xf32, #tpu.memory_space<vmem>>, vector<1x16xf32>,
      %get3A_138 = vector.shape_cast %get3A_137 : vector<1x16xf32> to vector<16xf32>
      %get3A_139 = arith.index_cast %scan3A_134 : i32 to index
      %get3A_140 = arith.constant 0 : index
      %get3A_141 = tpu.vector_load %arg16[%get3A_139, %get3A_140] {strides = array<i32>} : memref<512x16xf32, #tpu.memory_space<vmem>>, vector<1x16xf32>,
      %get3A_142 = vector.shape_cast %get3A_141 : vector<1x16xf32> to vector<16xf32>
      %mul3A_143 = arith.mulf %get3A_138, %get3A_142 : vector<16xf32>
      %swap3A_144 = arith.index_cast %scan3A_134 : i32 to index
      %swap3A_145 = arith.constant 0 : index
      %swap3A_146 = tpu.vector_load %arg18[%swap3A_144, %swap3A_145] {strides = array<i32>} : memref<512x16xf32, #tpu.memory_space<vmem>>, vector<1x16xf32>,
      %swap3A_147 = vector.shape_cast %swap3A_146 : vector<1x16xf32> to vector<16xf32>
      %swap3A_148 = vector.shape_cast %mul3A_143 : vector<16xf32> to vector<1x16xf32>
      tpu.vector_store %arg18[%swap3A_144, %swap3A_145], %swap3A_148 {strides = array<i32>} : memref<512x16xf32, #tpu.memory_space<vmem>>, vector<1x16xf32>,
      %scan3A_149 = arith.constant 0 : i32
      %scan3A_150 = arith.constant 6 : i32
      %scan3A_151 = arith.addi %scan3A_50, %scan3A_150 : i32
      %get3A_152 = arith.index_cast %scan3A_151 : i32 to index
      %get3A_153 = arith.constant 0 : index
      %get3A_154 = tpu.vector_load %arg15[%get3A_152, %get3A_153] {strides = array<i32>} : memref<512x16xf32, #tpu.memory_space<vmem>>, vector<1x16xf32>,
      %get3A_155 = vector.shape_cast %get3A_154 : vector<1x16xf32> to vector<16xf32>
      %get3A_156 = arith.index_cast %scan3A_151 : i32 to index
      %get3A_157 = arith.constant 0 : index
      %get3A_158 = tpu.vector_load %arg16[%get3A_156, %get3A_157] {strides = array<i32>} : memref<512x16xf32, #tpu.memory_space<vmem>>, vector<1x16xf32>,
      %get3A_159 = vector.shape_cast %get3A_158 : vector<1x16xf32> to vector<16xf32>
      %mul3A_160 = arith.mulf %get3A_155, %get3A_159 : vector<16xf32>
      %swap3A_161 = arith.index_cast %scan3A_151 : i32 to index
      %swap3A_162 = arith.constant 0 : index
      %swap3A_163 = tpu.vector_load %arg18[%swap3A_161, %swap3A_162] {strides = array<i32>} : memref<512x16xf32, #tpu.memory_space<vmem>>, vector<1x16xf32>,
      %swap3A_164 = vector.shape_cast %swap3A_163 : vector<1x16xf32> to vector<16xf32>
      %swap3A_165 = vector.shape_cast %mul3A_160 : vector<16xf32> to vector<1x16xf32>
      tpu.vector_store %arg18[%swap3A_161, %swap3A_162], %swap3A_165 {strides = array<i32>} : memref<512x16xf32, #tpu.memory_space<vmem>>, vector<1x16xf32>,
      %scan3A_166 = arith.constant 0 : i32
      %scan3A_167 = arith.constant 7 : i32
      %scan3A_168 = arith.addi %scan3A_50, %scan3A_167 : i32
      %get3A_169 = arith.index_cast %scan3A_168 : i32 to index
      %get3A_170 = arith.constant 0 : index
      %get3A_171 = tpu.vector_load %arg15[%get3A_169, %get3A_170] {strides = array<i32>} : memref<512x16xf32, #tpu.memory_space<vmem>>, vector<1x16xf32>,
      %get3A_172 = vector.shape_cast %get3A_171 : vector<1x16xf32> to vector<16xf32>
      %get3A_173 = arith.index_cast %scan3A_168 : i32 to index
      %get3A_174 = arith.constant 0 : index
      %get3A_175 = tpu.vector_load %arg16[%get3A_173, %get3A_174] {strides = array<i32>} : memref<512x16xf32, #tpu.memory_space<vmem>>, vector<1x16xf32>,
      %get3A_176 = vector.shape_cast %get3A_175 : vector<1x16xf32> to vector<16xf32>
      %mul3A_177 = arith.mulf %get3A_172, %get3A_176 : vector<16xf32>
      %swap3A_178 = arith.index_cast %scan3A_168 : i32 to index
      %swap3A_179 = arith.constant 0 : index
      %swap3A_180 = tpu.vector_load %arg18[%swap3A_178, %swap3A_179] {strides = array<i32>} : memref<512x16xf32, #tpu.memory_space<vmem>>, vector<1x16xf32>,
      %swap3A_181 = vector.shape_cast %swap3A_180 : vector<1x16xf32> to vector<16xf32>
      %swap3A_182 = vector.shape_cast %mul3A_177 : vector<16xf32> to vector<1x16xf32>
      tpu.vector_store %arg18[%swap3A_178, %swap3A_179], %swap3A_182 {strides = array<i32>} : memref<512x16xf32, #tpu.memory_space<vmem>>, vector<1x16xf32>,
      %scan3A_183 = arith.constant 0 : i32
      scf.yield %scan3A_183 : i32
    }
    %scan3A_45 = arith.constant 512 : i32
    "tpu.region"() ({
      %run_scoped3A = tpu.sem_alloc : memref<!tpu.dma_semaphore, #tpu.memory_space<semaphore_mem>>
      %dma_start3A_50 = arith.constant 0 : i32
      %dma_start3A_51 = tpu.memref_slice %arg9[%mul3A_2, %dma_start3A_50] : memref<16384x16xf32, #tpu.memory_space<hbm>> -> memref<512x16xf32, #tpu.memory_space<hbm>>
      %dma_start3A_52 = arith.constant 0 : i32
      %dma_start3A_53 = tpu.memref_slice %arg9[%mul3A_2, %dma_start3A_52] : memref<16384x16xf32, #tpu.memory_space<hbm>> -> memref<512x16xf32, #tpu.memory_space<hbm>>
      tpu.enqueue_dma source(%arg15 : memref<512x16xf32, #tpu.memory_space<vmem>>) target(%dma_start3A_53 : memref<512x16xf32, #tpu.memory_space<hbm>>) target_semaphore(%run_scoped3A : memref<!tpu.dma_semaphore, #tpu.memory_space<semaphore_mem>>)
      %dma_wait3A_54 = arith.constant 0 : i32
      %dma_wait3A_55 = tpu.memref_slice %arg9[%mul3A_2, %dma_wait3A_54] : memref<16384x16xf32, #tpu.memory_space<hbm>> -> memref<512x16xf32, #tpu.memory_space<hbm>>
      %dma_wait3A_56 = arith.constant 0 : i32
      %dma_wait3A_57 = tpu.memref_slice %arg9[%mul3A_2, %dma_wait3A_56] : memref<16384x16xf32, #tpu.memory_space<hbm>> -> memref<512x16xf32, #tpu.memory_space<hbm>>
      tpu.wait_dma2 semaphore(%run_scoped3A : memref<!tpu.dma_semaphore, #tpu.memory_space<semaphore_mem>>) src(%arg15 : memref<512x16xf32, #tpu.memory_space<vmem>>) dst(%dma_wait3A_57 : memref<512x16xf32, #tpu.memory_space<hbm>>)
      tpu.yield
    }) : () -> ()
    "tpu.region"() ({
      %run_scoped3A = tpu.sem_alloc : memref<!tpu.dma_semaphore, #tpu.memory_space<semaphore_mem>>
      %dma_start3A_50 = arith.constant 0 : i32
      %dma_start3A_51 = tpu.memref_slice %arg7[%mul3A_2, %dma_start3A_50] : memref<16384x16xf32, #tpu.memory_space<hbm>> -> memref<512x16xf32, #tpu.memory_space<hbm>>
      %dma_start3A_52 = arith.constant 0 : i32
      %dma_start3A_53 = tpu.memref_slice %arg7[%mul3A_2, %dma_start3A_52] : memref<16384x16xf32, #tpu.memory_space<hbm>> -> memref<512x16xf32, #tpu.memory_space<hbm>>
      tpu.enqueue_dma source(%arg18 : memref<512x16xf32, #tpu.memory_space<vmem>>) target(%dma_start3A_53 : memref<512x16xf32, #tpu.memory_space<hbm>>) target_semaphore(%run_scoped3A : memref<!tpu.dma_semaphore, #tpu.memory_space<semaphore_mem>>)
      %dma_wait3A_54 = arith.constant 0 : i32
      %dma_wait3A_55 = tpu.memref_slice %arg7[%mul3A_2, %dma_wait3A_54] : memref<16384x16xf32, #tpu.memory_space<hbm>> -> memref<512x16xf32, #tpu.memory_space<hbm>>
      %dma_wait3A_56 = arith.constant 0 : i32
      %dma_wait3A_57 = tpu.memref_slice %arg7[%mul3A_2, %dma_wait3A_56] : memref<16384x16xf32, #tpu.memory_space<hbm>> -> memref<512x16xf32, #tpu.memory_space<hbm>>
      tpu.wait_dma2 semaphore(%run_scoped3A : memref<!tpu.dma_semaphore, #tpu.memory_space<semaphore_mem>>) src(%arg18 : memref<512x16xf32, #tpu.memory_space<vmem>>) dst(%dma_wait3A_57 : memref<512x16xf32, #tpu.memory_space<hbm>>)
      tpu.yield
    }) : () -> ()
    %dma_wait3A_46 = arith.constant 0 : i32
    %dma_wait3A_47 = tpu.memref_slice %arg4[%dma_wait3A_46] : memref<51200000xf32, #tpu.memory_space<hbm>> -> memref<51200000xf32, #tpu.memory_space<hbm>>
    tpu.wait_indirect_dma semaphore(%arg19 : memref<!tpu.dma_semaphore, #tpu.memory_space<semaphore_mem>>) src(%dma_wait3A_47 : memref<51200000xf32, #tpu.memory_space<hbm>>) dst(%arg17 : memref<4096xf32, #tpu.memory_space<vmem>>)
    %mul3A_48 = arith.constant 8 : i32
    %mul3A_49 = arith.muli %mul3A_2, %mul3A_48 : i32
    "tpu.region"() ({
      %run_scoped3A = tpu.sem_alloc : memref<!tpu.dma_semaphore, #tpu.memory_space<semaphore_mem>>
      %dma_start3A_50 = tpu.memref_slice %arg8[%mul3A_49] : memref<131072xf32, #tpu.memory_space<hbm>> -> memref<4096xf32, #tpu.memory_space<hbm>>
      %dma_start3A_51 = tpu.memref_slice %arg8[%mul3A_49] : memref<131072xf32, #tpu.memory_space<hbm>> -> memref<4096xf32, #tpu.memory_space<hbm>>
      tpu.enqueue_dma source(%arg17 : memref<4096xf32, #tpu.memory_space<vmem>>) target(%dma_start3A_51 : memref<4096xf32, #tpu.memory_space<hbm>>) target_semaphore(%run_scoped3A : memref<!tpu.dma_semaphore, #tpu.memory_space<semaphore_mem>>)
      %dma_wait3A_52 = tpu.memref_slice %arg8[%mul3A_49] : memref<131072xf32, #tpu.memory_space<hbm>> -> memref<4096xf32, #tpu.memory_space<hbm>>
      %dma_wait3A_53 = tpu.memref_slice %arg8[%mul3A_49] : memref<131072xf32, #tpu.memory_space<hbm>> -> memref<4096xf32, #tpu.memory_space<hbm>>
      tpu.wait_dma2 semaphore(%run_scoped3A : memref<!tpu.dma_semaphore, #tpu.memory_space<semaphore_mem>>) src(%arg17 : memref<4096xf32, #tpu.memory_space<vmem>>) dst(%dma_wait3A_53 : memref<4096xf32, #tpu.memory_space<hbm>>)
      tpu.yield
    }) : () -> ()
    return
  }
}

module attributes {stable_mosaic.version = 14 : i64} {
  func.func @_tc_tables_body(%arg0: i32, %arg1: memref<64x50000xf32, #tpu.memory_space<vmem>>, %arg2: memref<8x64xf32, #tpu.memory_space<vmem>>, %arg3: memref<128x64xf32, #tpu.memory_space<vmem>>, %arg4: memref<1x128xf32, #tpu.memory_space<vmem>>, %arg5: memref<6272x128xf32, #tpu.memory_space<vmem>>, %arg6: memref<128x128xf32, #tpu.memory_space<vmem>>) attributes {dimension_semantics = [#tpu.dimension_semantics<arbitrary>], iteration_bounds = array<i64: 1>, scalar_prefetch = 0 : i64, scratch_operands = 0 : i64, tpu.core_type = #tpu.core_type<tc>, window_params = [{pipeline_mode = #tpu.pipeline_mode<synchronous>, transform_indices = @transform_0, window_bounds = array<i64: 64, 50000>}, {pipeline_mode = #tpu.pipeline_mode<synchronous>, transform_indices = @transform_1, window_bounds = array<i64: 8, 64>}, {pipeline_mode = #tpu.pipeline_mode<synchronous>, transform_indices = @transform_2, window_bounds = array<i64: 128, 64>}, {pipeline_mode = #tpu.pipeline_mode<synchronous>, transform_indices = @transform_3, window_bounds = array<i64: 1, 128>}, {pipeline_mode = #tpu.pipeline_mode<synchronous>, transform_indices = @transform_4, window_bounds = array<i64: 6272, 128>}, {pipeline_mode = #tpu.pipeline_mode<synchronous>, transform_indices = @transform_5, window_bounds = array<i64: 128, 128>}]} {
    %get3A = arith.constant 0 : index
    %get3A_0 = arith.constant 0 : index
    %get3A_1 = vector.load %arg2[%get3A, %get3A_0] : memref<8x64xf32, #tpu.memory_space<vmem>>, vector<8x64xf32>
    %iota3A = tpu.iota {dimensions = array<i32: 1>} : vector<8x16xi32>
    %and3A = arith.constant 7 : i32
    %and3A_2 = vector.broadcast %and3A : i32 to vector<8x16xi32>
    %and3A_3 = arith.andi %iota3A, %and3A_2 : vector<8x16xi32>
    %iota3A_4 = tpu.iota {dimensions = array<i32: 0>} : vector<8x16xi32>
    %eq3A = arith.cmpi eq, %and3A_3, %iota3A_4 : vector<8x16xi32>
    %convert_element_type3A = arith.extui %eq3A : vector<8x16xi1> to vector<8x16xi32>
    %convert_element_type3A_5 = arith.sitofp %convert_element_type3A : vector<8x16xi32> to vector<8x16xf32>
    %get3A_6 = arith.constant 0 : index
    %get3A_7 = arith.constant 0 : index
    %get3A_8 = vector.load %arg1[%get3A_6, %get3A_7] : memref<64x50000xf32, #tpu.memory_space<vmem>>, vector<64x6272xf32>
    %dot_general3A = arith.constant dense<0.000000e+00> : vector<8x6272xf32>
    %dot_general3A_9 = tpu.matmul %get3A_1, %get3A_8, %dot_general3A {dimension_numbers = #tpu.dot_dimension_numbers<[1], [0], [0], [1], [0, 0, 1, 1], [], []>, transpose_lhs_hint = false} : vector<8x64xf32>, vector<64x6272xf32>, vector<8x6272xf32> -> vector<8x6272xf32>
    %reduce_max3A = arith.constant dense<0xFF800000> : vector<6272xf32>
    %reduce_max3A_10 = vector.multi_reduction <maximumf>, %dot_general3A_9, %reduce_max3A [0] : vector<8x6272xf32> to vector<6272xf32>
    %broadcast_in_dim3A = vector.shape_cast %reduce_max3A_10 : vector<6272xf32> to vector<1x6272xf32>
    %sub3A = vector.broadcast %broadcast_in_dim3A : vector<1x6272xf32> to vector<8x6272xf32>
    %sub3A_11 = arith.subf %dot_general3A_9, %sub3A : vector<8x6272xf32>
    %exp3A = math.exp %sub3A_11 : vector<8x6272xf32>
    %reduce_sum3A = arith.constant dense<0.000000e+00> : vector<6272xf32>
    %reduce_sum3A_12 = vector.multi_reduction <add>, %exp3A, %reduce_sum3A [0] : vector<8x6272xf32> to vector<6272xf32>
    %broadcast_in_dim3A_13 = vector.shape_cast %reduce_sum3A_12 : vector<6272xf32> to vector<1x6272xf32>
    %div3A = vector.broadcast %broadcast_in_dim3A_13 : vector<1x6272xf32> to vector<8x6272xf32>
    %div3A_14 = arith.divf %exp3A, %div3A : vector<8x6272xf32>
    %dot_general3A_15 = arith.constant dense<0.000000e+00> : vector<6272x16xf32>
    %dot_general3A_16 = tpu.matmul %div3A_14, %convert_element_type3A_5, %dot_general3A_15 {dimension_numbers = #tpu.dot_dimension_numbers<[0], [0], [1], [1], [0, 1, 1, 1], [], []>, transpose_lhs_hint = false} : vector<8x6272xf32>, vector<8x16xf32>, vector<6272x16xf32> -> vector<6272x16xf32>
    %swap3A = arith.constant 0 : index
    %swap3A_17 = arith.constant 0 : index
    %swap3A_18 = vector.load %arg5[%swap3A, %swap3A_17] : memref<6272x128xf32, #tpu.memory_space<vmem>>, vector<6272x16xf32>
    tpu.vector_store %arg5[%swap3A, %swap3A_17], %dot_general3A_16 {strides = array<i32>} : memref<6272x128xf32, #tpu.memory_space<vmem>>, vector<6272x16xf32>,
    %get3A_19 = arith.constant 0 : index
    %get3A_20 = arith.constant 6272 : index
    %get3A_21 = vector.load %arg1[%get3A_19, %get3A_20] : memref<64x50000xf32, #tpu.memory_space<vmem>>, vector<64x6272xf32>
    %dot_general3A_22 = arith.constant dense<0.000000e+00> : vector<8x6272xf32>
    %dot_general3A_23 = tpu.matmul %get3A_1, %get3A_21, %dot_general3A_22 {dimension_numbers = #tpu.dot_dimension_numbers<[1], [0], [0], [1], [0, 0, 1, 1], [], []>, transpose_lhs_hint = false} : vector<8x64xf32>, vector<64x6272xf32>, vector<8x6272xf32> -> vector<8x6272xf32>
    %reduce_max3A_24 = arith.constant dense<0xFF800000> : vector<6272xf32>
    %reduce_max3A_25 = vector.multi_reduction <maximumf>, %dot_general3A_23, %reduce_max3A_24 [0] : vector<8x6272xf32> to vector<6272xf32>
    %broadcast_in_dim3A_26 = vector.shape_cast %reduce_max3A_25 : vector<6272xf32> to vector<1x6272xf32>
    %sub3A_27 = vector.broadcast %broadcast_in_dim3A_26 : vector<1x6272xf32> to vector<8x6272xf32>
    %sub3A_28 = arith.subf %dot_general3A_23, %sub3A_27 : vector<8x6272xf32>
    %exp3A_29 = math.exp %sub3A_28 : vector<8x6272xf32>
    %reduce_sum3A_30 = arith.constant dense<0.000000e+00> : vector<6272xf32>
    %reduce_sum3A_31 = vector.multi_reduction <add>, %exp3A_29, %reduce_sum3A_30 [0] : vector<8x6272xf32> to vector<6272xf32>
    %broadcast_in_dim3A_32 = vector.shape_cast %reduce_sum3A_31 : vector<6272xf32> to vector<1x6272xf32>
    %div3A_33 = vector.broadcast %broadcast_in_dim3A_32 : vector<1x6272xf32> to vector<8x6272xf32>
    %div3A_34 = arith.divf %exp3A_29, %div3A_33 : vector<8x6272xf32>
    %dot_general3A_35 = arith.constant dense<0.000000e+00> : vector<6272x16xf32>
    %dot_general3A_36 = tpu.matmul %div3A_34, %convert_element_type3A_5, %dot_general3A_35 {dimension_numbers = #tpu.dot_dimension_numbers<[0], [0], [1], [1], [0, 1, 1, 1], [], []>, transpose_lhs_hint = false} : vector<8x6272xf32>, vector<8x16xf32>, vector<6272x16xf32> -> vector<6272x16xf32>
    %swap3A_37 = arith.constant 0 : index
    %swap3A_38 = arith.constant 16 : index
    %swap3A_39 = vector.load %arg5[%swap3A_37, %swap3A_38] : memref<6272x128xf32, #tpu.memory_space<vmem>>, vector<6272x16xf32>
    tpu.vector_store %arg5[%swap3A_37, %swap3A_38], %dot_general3A_36 {strides = array<i32>} : memref<6272x128xf32, #tpu.memory_space<vmem>>, vector<6272x16xf32>,
    %get3A_40 = arith.constant 0 : index
    %get3A_41 = arith.constant 12544 : index
    %get3A_42 = vector.load %arg1[%get3A_40, %get3A_41] : memref<64x50000xf32, #tpu.memory_space<vmem>>, vector<64x6272xf32>
    %dot_general3A_43 = arith.constant dense<0.000000e+00> : vector<8x6272xf32>
    %dot_general3A_44 = tpu.matmul %get3A_1, %get3A_42, %dot_general3A_43 {dimension_numbers = #tpu.dot_dimension_numbers<[1], [0], [0], [1], [0, 0, 1, 1], [], []>, transpose_lhs_hint = false} : vector<8x64xf32>, vector<64x6272xf32>, vector<8x6272xf32> -> vector<8x6272xf32>
    %reduce_max3A_45 = arith.constant dense<0xFF800000> : vector<6272xf32>
    %reduce_max3A_46 = vector.multi_reduction <maximumf>, %dot_general3A_44, %reduce_max3A_45 [0] : vector<8x6272xf32> to vector<6272xf32>
    %broadcast_in_dim3A_47 = vector.shape_cast %reduce_max3A_46 : vector<6272xf32> to vector<1x6272xf32>
    %sub3A_48 = vector.broadcast %broadcast_in_dim3A_47 : vector<1x6272xf32> to vector<8x6272xf32>
    %sub3A_49 = arith.subf %dot_general3A_44, %sub3A_48 : vector<8x6272xf32>
    %exp3A_50 = math.exp %sub3A_49 : vector<8x6272xf32>
    %reduce_sum3A_51 = arith.constant dense<0.000000e+00> : vector<6272xf32>
    %reduce_sum3A_52 = vector.multi_reduction <add>, %exp3A_50, %reduce_sum3A_51 [0] : vector<8x6272xf32> to vector<6272xf32>
    %broadcast_in_dim3A_53 = vector.shape_cast %reduce_sum3A_52 : vector<6272xf32> to vector<1x6272xf32>
    %div3A_54 = vector.broadcast %broadcast_in_dim3A_53 : vector<1x6272xf32> to vector<8x6272xf32>
    %div3A_55 = arith.divf %exp3A_50, %div3A_54 : vector<8x6272xf32>
    %dot_general3A_56 = arith.constant dense<0.000000e+00> : vector<6272x16xf32>
    %dot_general3A_57 = tpu.matmul %div3A_55, %convert_element_type3A_5, %dot_general3A_56 {dimension_numbers = #tpu.dot_dimension_numbers<[0], [0], [1], [1], [0, 1, 1, 1], [], []>, transpose_lhs_hint = false} : vector<8x6272xf32>, vector<8x16xf32>, vector<6272x16xf32> -> vector<6272x16xf32>
    %swap3A_58 = arith.constant 0 : index
    %swap3A_59 = arith.constant 32 : index
    %swap3A_60 = vector.load %arg5[%swap3A_58, %swap3A_59] : memref<6272x128xf32, #tpu.memory_space<vmem>>, vector<6272x16xf32>
    tpu.vector_store %arg5[%swap3A_58, %swap3A_59], %dot_general3A_57 {strides = array<i32>} : memref<6272x128xf32, #tpu.memory_space<vmem>>, vector<6272x16xf32>,
    %get3A_61 = arith.constant 0 : index
    %get3A_62 = arith.constant 18816 : index
    %get3A_63 = vector.load %arg1[%get3A_61, %get3A_62] : memref<64x50000xf32, #tpu.memory_space<vmem>>, vector<64x6272xf32>
    %dot_general3A_64 = arith.constant dense<0.000000e+00> : vector<8x6272xf32>
    %dot_general3A_65 = tpu.matmul %get3A_1, %get3A_63, %dot_general3A_64 {dimension_numbers = #tpu.dot_dimension_numbers<[1], [0], [0], [1], [0, 0, 1, 1], [], []>, transpose_lhs_hint = false} : vector<8x64xf32>, vector<64x6272xf32>, vector<8x6272xf32> -> vector<8x6272xf32>
    %reduce_max3A_66 = arith.constant dense<0xFF800000> : vector<6272xf32>
    %reduce_max3A_67 = vector.multi_reduction <maximumf>, %dot_general3A_65, %reduce_max3A_66 [0] : vector<8x6272xf32> to vector<6272xf32>
    %broadcast_in_dim3A_68 = vector.shape_cast %reduce_max3A_67 : vector<6272xf32> to vector<1x6272xf32>
    %sub3A_69 = vector.broadcast %broadcast_in_dim3A_68 : vector<1x6272xf32> to vector<8x6272xf32>
    %sub3A_70 = arith.subf %dot_general3A_65, %sub3A_69 : vector<8x6272xf32>
    %exp3A_71 = math.exp %sub3A_70 : vector<8x6272xf32>
    %reduce_sum3A_72 = arith.constant dense<0.000000e+00> : vector<6272xf32>
    %reduce_sum3A_73 = vector.multi_reduction <add>, %exp3A_71, %reduce_sum3A_72 [0] : vector<8x6272xf32> to vector<6272xf32>
    %broadcast_in_dim3A_74 = vector.shape_cast %reduce_sum3A_73 : vector<6272xf32> to vector<1x6272xf32>
    %div3A_75 = vector.broadcast %broadcast_in_dim3A_74 : vector<1x6272xf32> to vector<8x6272xf32>
    %div3A_76 = arith.divf %exp3A_71, %div3A_75 : vector<8x6272xf32>
    %dot_general3A_77 = arith.constant dense<0.000000e+00> : vector<6272x16xf32>
    %dot_general3A_78 = tpu.matmul %div3A_76, %convert_element_type3A_5, %dot_general3A_77 {dimension_numbers = #tpu.dot_dimension_numbers<[0], [0], [1], [1], [0, 1, 1, 1], [], []>, transpose_lhs_hint = false} : vector<8x6272xf32>, vector<8x16xf32>, vector<6272x16xf32> -> vector<6272x16xf32>
    %swap3A_79 = arith.constant 0 : index
    %swap3A_80 = arith.constant 48 : index
    %swap3A_81 = vector.load %arg5[%swap3A_79, %swap3A_80] : memref<6272x128xf32, #tpu.memory_space<vmem>>, vector<6272x16xf32>
    tpu.vector_store %arg5[%swap3A_79, %swap3A_80], %dot_general3A_78 {strides = array<i32>} : memref<6272x128xf32, #tpu.memory_space<vmem>>, vector<6272x16xf32>,
    %get3A_82 = arith.constant 0 : index
    %get3A_83 = arith.constant 25088 : index
    %get3A_84 = vector.load %arg1[%get3A_82, %get3A_83] : memref<64x50000xf32, #tpu.memory_space<vmem>>, vector<64x6272xf32>
    %dot_general3A_85 = arith.constant dense<0.000000e+00> : vector<8x6272xf32>
    %dot_general3A_86 = tpu.matmul %get3A_1, %get3A_84, %dot_general3A_85 {dimension_numbers = #tpu.dot_dimension_numbers<[1], [0], [0], [1], [0, 0, 1, 1], [], []>, transpose_lhs_hint = false} : vector<8x64xf32>, vector<64x6272xf32>, vector<8x6272xf32> -> vector<8x6272xf32>
    %reduce_max3A_87 = arith.constant dense<0xFF800000> : vector<6272xf32>
    %reduce_max3A_88 = vector.multi_reduction <maximumf>, %dot_general3A_86, %reduce_max3A_87 [0] : vector<8x6272xf32> to vector<6272xf32>
    %broadcast_in_dim3A_89 = vector.shape_cast %reduce_max3A_88 : vector<6272xf32> to vector<1x6272xf32>
    %sub3A_90 = vector.broadcast %broadcast_in_dim3A_89 : vector<1x6272xf32> to vector<8x6272xf32>
    %sub3A_91 = arith.subf %dot_general3A_86, %sub3A_90 : vector<8x6272xf32>
    %exp3A_92 = math.exp %sub3A_91 : vector<8x6272xf32>
    %reduce_sum3A_93 = arith.constant dense<0.000000e+00> : vector<6272xf32>
    %reduce_sum3A_94 = vector.multi_reduction <add>, %exp3A_92, %reduce_sum3A_93 [0] : vector<8x6272xf32> to vector<6272xf32>
    %broadcast_in_dim3A_95 = vector.shape_cast %reduce_sum3A_94 : vector<6272xf32> to vector<1x6272xf32>
    %div3A_96 = vector.broadcast %broadcast_in_dim3A_95 : vector<1x6272xf32> to vector<8x6272xf32>
    %div3A_97 = arith.divf %exp3A_92, %div3A_96 : vector<8x6272xf32>
    %dot_general3A_98 = arith.constant dense<0.000000e+00> : vector<6272x16xf32>
    %dot_general3A_99 = tpu.matmul %div3A_97, %convert_element_type3A_5, %dot_general3A_98 {dimension_numbers = #tpu.dot_dimension_numbers<[0], [0], [1], [1], [0, 1, 1, 1], [], []>, transpose_lhs_hint = false} : vector<8x6272xf32>, vector<8x16xf32>, vector<6272x16xf32> -> vector<6272x16xf32>
    %swap3A_100 = arith.constant 0 : index
    %swap3A_101 = arith.constant 64 : index
    %swap3A_102 = vector.load %arg5[%swap3A_100, %swap3A_101] : memref<6272x128xf32, #tpu.memory_space<vmem>>, vector<6272x16xf32>
    tpu.vector_store %arg5[%swap3A_100, %swap3A_101], %dot_general3A_99 {strides = array<i32>} : memref<6272x128xf32, #tpu.memory_space<vmem>>, vector<6272x16xf32>,
    %get3A_103 = arith.constant 0 : index
    %get3A_104 = arith.constant 31360 : index
    %get3A_105 = vector.load %arg1[%get3A_103, %get3A_104] : memref<64x50000xf32, #tpu.memory_space<vmem>>, vector<64x6272xf32>
    %dot_general3A_106 = arith.constant dense<0.000000e+00> : vector<8x6272xf32>
    %dot_general3A_107 = tpu.matmul %get3A_1, %get3A_105, %dot_general3A_106 {dimension_numbers = #tpu.dot_dimension_numbers<[1], [0], [0], [1], [0, 0, 1, 1], [], []>, transpose_lhs_hint = false} : vector<8x64xf32>, vector<64x6272xf32>, vector<8x6272xf32> -> vector<8x6272xf32>
    %reduce_max3A_108 = arith.constant dense<0xFF800000> : vector<6272xf32>
    %reduce_max3A_109 = vector.multi_reduction <maximumf>, %dot_general3A_107, %reduce_max3A_108 [0] : vector<8x6272xf32> to vector<6272xf32>
    %broadcast_in_dim3A_110 = vector.shape_cast %reduce_max3A_109 : vector<6272xf32> to vector<1x6272xf32>
    %sub3A_111 = vector.broadcast %broadcast_in_dim3A_110 : vector<1x6272xf32> to vector<8x6272xf32>
    %sub3A_112 = arith.subf %dot_general3A_107, %sub3A_111 : vector<8x6272xf32>
    %exp3A_113 = math.exp %sub3A_112 : vector<8x6272xf32>
    %reduce_sum3A_114 = arith.constant dense<0.000000e+00> : vector<6272xf32>
    %reduce_sum3A_115 = vector.multi_reduction <add>, %exp3A_113, %reduce_sum3A_114 [0] : vector<8x6272xf32> to vector<6272xf32>
    %broadcast_in_dim3A_116 = vector.shape_cast %reduce_sum3A_115 : vector<6272xf32> to vector<1x6272xf32>
    %div3A_117 = vector.broadcast %broadcast_in_dim3A_116 : vector<1x6272xf32> to vector<8x6272xf32>
    %div3A_118 = arith.divf %exp3A_113, %div3A_117 : vector<8x6272xf32>
    %dot_general3A_119 = arith.constant dense<0.000000e+00> : vector<6272x16xf32>
    %dot_general3A_120 = tpu.matmul %div3A_118, %convert_element_type3A_5, %dot_general3A_119 {dimension_numbers = #tpu.dot_dimension_numbers<[0], [0], [1], [1], [0, 1, 1, 1], [], []>, transpose_lhs_hint = false} : vector<8x6272xf32>, vector<8x16xf32>, vector<6272x16xf32> -> vector<6272x16xf32>
    %swap3A_121 = arith.constant 0 : index
    %swap3A_122 = arith.constant 80 : index
    %swap3A_123 = vector.load %arg5[%swap3A_121, %swap3A_122] : memref<6272x128xf32, #tpu.memory_space<vmem>>, vector<6272x16xf32>
    tpu.vector_store %arg5[%swap3A_121, %swap3A_122], %dot_general3A_120 {strides = array<i32>} : memref<6272x128xf32, #tpu.memory_space<vmem>>, vector<6272x16xf32>,
    %get3A_124 = arith.constant 0 : index
    %get3A_125 = arith.constant 37632 : index
    %get3A_126 = vector.load %arg1[%get3A_124, %get3A_125] : memref<64x50000xf32, #tpu.memory_space<vmem>>, vector<64x6272xf32>
    %dot_general3A_127 = arith.constant dense<0.000000e+00> : vector<8x6272xf32>
    %dot_general3A_128 = tpu.matmul %get3A_1, %get3A_126, %dot_general3A_127 {dimension_numbers = #tpu.dot_dimension_numbers<[1], [0], [0], [1], [0, 0, 1, 1], [], []>, transpose_lhs_hint = false} : vector<8x64xf32>, vector<64x6272xf32>, vector<8x6272xf32> -> vector<8x6272xf32>
    %reduce_max3A_129 = arith.constant dense<0xFF800000> : vector<6272xf32>
    %reduce_max3A_130 = vector.multi_reduction <maximumf>, %dot_general3A_128, %reduce_max3A_129 [0] : vector<8x6272xf32> to vector<6272xf32>
    %broadcast_in_dim3A_131 = vector.shape_cast %reduce_max3A_130 : vector<6272xf32> to vector<1x6272xf32>
    %sub3A_132 = vector.broadcast %broadcast_in_dim3A_131 : vector<1x6272xf32> to vector<8x6272xf32>
    %sub3A_133 = arith.subf %dot_general3A_128, %sub3A_132 : vector<8x6272xf32>
    %exp3A_134 = math.exp %sub3A_133 : vector<8x6272xf32>
    %reduce_sum3A_135 = arith.constant dense<0.000000e+00> : vector<6272xf32>
    %reduce_sum3A_136 = vector.multi_reduction <add>, %exp3A_134, %reduce_sum3A_135 [0] : vector<8x6272xf32> to vector<6272xf32>
    %broadcast_in_dim3A_137 = vector.shape_cast %reduce_sum3A_136 : vector<6272xf32> to vector<1x6272xf32>
    %div3A_138 = vector.broadcast %broadcast_in_dim3A_137 : vector<1x6272xf32> to vector<8x6272xf32>
    %div3A_139 = arith.divf %exp3A_134, %div3A_138 : vector<8x6272xf32>
    %dot_general3A_140 = arith.constant dense<0.000000e+00> : vector<6272x16xf32>
    %dot_general3A_141 = tpu.matmul %div3A_139, %convert_element_type3A_5, %dot_general3A_140 {dimension_numbers = #tpu.dot_dimension_numbers<[0], [0], [1], [1], [0, 1, 1, 1], [], []>, transpose_lhs_hint = false} : vector<8x6272xf32>, vector<8x16xf32>, vector<6272x16xf32> -> vector<6272x16xf32>
    %swap3A_142 = arith.constant 0 : index
    %swap3A_143 = arith.constant 96 : index
    %swap3A_144 = vector.load %arg5[%swap3A_142, %swap3A_143] : memref<6272x128xf32, #tpu.memory_space<vmem>>, vector<6272x16xf32>
    tpu.vector_store %arg5[%swap3A_142, %swap3A_143], %dot_general3A_141 {strides = array<i32>} : memref<6272x128xf32, #tpu.memory_space<vmem>>, vector<6272x16xf32>,
    %get3A_145 = arith.constant 0 : index
    %get3A_146 = arith.constant 43904 : index
    %get3A_147 = vector.load %arg1[%get3A_145, %get3A_146] : memref<64x50000xf32, #tpu.memory_space<vmem>>, vector<64x6096xf32>
    %dot_general3A_148 = arith.constant dense<0.000000e+00> : vector<8x6096xf32>
    %dot_general3A_149 = tpu.matmul %get3A_1, %get3A_147, %dot_general3A_148 {dimension_numbers = #tpu.dot_dimension_numbers<[1], [0], [0], [1], [0, 0, 1, 1], [], []>, transpose_lhs_hint = false} : vector<8x64xf32>, vector<64x6096xf32>, vector<8x6096xf32> -> vector<8x6096xf32>
    %reduce_max3A_150 = arith.constant dense<0xFF800000> : vector<6096xf32>
    %reduce_max3A_151 = vector.multi_reduction <maximumf>, %dot_general3A_149, %reduce_max3A_150 [0] : vector<8x6096xf32> to vector<6096xf32>
    %broadcast_in_dim3A_152 = vector.shape_cast %reduce_max3A_151 : vector<6096xf32> to vector<1x6096xf32>
    %sub3A_153 = vector.broadcast %broadcast_in_dim3A_152 : vector<1x6096xf32> to vector<8x6096xf32>
    %sub3A_154 = arith.subf %dot_general3A_149, %sub3A_153 : vector<8x6096xf32>
    %exp3A_155 = math.exp %sub3A_154 : vector<8x6096xf32>
    %reduce_sum3A_156 = arith.constant dense<0.000000e+00> : vector<6096xf32>
    %reduce_sum3A_157 = vector.multi_reduction <add>, %exp3A_155, %reduce_sum3A_156 [0] : vector<8x6096xf32> to vector<6096xf32>
    %broadcast_in_dim3A_158 = vector.shape_cast %reduce_sum3A_157 : vector<6096xf32> to vector<1x6096xf32>
    %div3A_159 = vector.broadcast %broadcast_in_dim3A_158 : vector<1x6096xf32> to vector<8x6096xf32>
    %div3A_160 = arith.divf %exp3A_155, %div3A_159 : vector<8x6096xf32>
    %dot_general3A_161 = arith.constant dense<0.000000e+00> : vector<6096x16xf32>
    %dot_general3A_162 = tpu.matmul %div3A_160, %convert_element_type3A_5, %dot_general3A_161 {dimension_numbers = #tpu.dot_dimension_numbers<[0], [0], [1], [1], [0, 1, 1, 1], [], []>, transpose_lhs_hint = false} : vector<8x6096xf32>, vector<8x16xf32>, vector<6096x16xf32> -> vector<6096x16xf32>
    %swap3A_163 = arith.constant 0 : index
    %swap3A_164 = arith.constant 112 : index
    %swap3A_165 = vector.load %arg5[%swap3A_163, %swap3A_164] : memref<6272x128xf32, #tpu.memory_space<vmem>>, vector<6096x16xf32>
    tpu.vector_store %arg5[%swap3A_163, %swap3A_164], %dot_general3A_162 {strides = array<i32>} : memref<6272x128xf32, #tpu.memory_space<vmem>>, vector<6096x16xf32>,
    %get3A_166 = arith.constant 0 : index
    %get3A_167 = arith.constant 0 : index
    %get3A_168 = vector.load %arg3[%get3A_166, %get3A_167] : memref<128x64xf32, #tpu.memory_space<vmem>>, vector<128x64xf32>
    %dot_general3A_169 = arith.constant dense<0.000000e+00> : vector<8x128xf32>
    %dot_general3A_170 = tpu.matmul %get3A_1, %get3A_168, %dot_general3A_169 {dimension_numbers = #tpu.dot_dimension_numbers<[1], [1], [0], [0], [0, 0, 1, 0], [], []>, transpose_lhs_hint = false} : vector<8x64xf32>, vector<128x64xf32>, vector<8x128xf32> -> vector<8x128xf32>
    %get3A_171 = arith.constant 0 : index
    %get3A_172 = arith.constant 0 : index
    %get3A_173 = vector.load %arg4[%get3A_171, %get3A_172] : memref<1x128xf32, #tpu.memory_space<vmem>>, vector<1x128xf32>
    %add3A = vector.broadcast %get3A_173 : vector<1x128xf32> to vector<8x128xf32>
    %add3A_174 = arith.addf %dot_general3A_170, %add3A : vector<8x128xf32>
    %reduce_max3A_175 = arith.constant dense<0xFF800000> : vector<8xf32>
    %reduce_max3A_176 = vector.multi_reduction <maximumf>, %add3A_174, %reduce_max3A_175 [1] : vector<8x128xf32> to vector<8xf32>
    %broadcast_in_dim3A_177 = vector.shape_cast %reduce_max3A_176 : vector<8xf32> to vector<8x1xf32>
    %sub3A_178 = vector.broadcast %broadcast_in_dim3A_177 : vector<8x1xf32> to vector<8x128xf32>
    %sub3A_179 = arith.subf %add3A_174, %sub3A_178 : vector<8x128xf32>
    %exp3A_180 = math.exp %sub3A_179 : vector<8x128xf32>
    %reduce_sum3A_181 = arith.constant dense<0.000000e+00> : vector<8xf32>
    %reduce_sum3A_182 = vector.multi_reduction <add>, %exp3A_180, %reduce_sum3A_181 [1] : vector<8x128xf32> to vector<8xf32>
    %broadcast_in_dim3A_183 = vector.shape_cast %reduce_sum3A_182 : vector<8xf32> to vector<8x1xf32>
    %div3A_184 = vector.broadcast %broadcast_in_dim3A_183 : vector<8x1xf32> to vector<8x128xf32>
    %div3A_185 = arith.divf %exp3A_180, %div3A_184 : vector<8x128xf32>
    %iota3A_186 = tpu.iota {dimensions = array<i32: 1>} : vector<8x128xi32>
    %and3A_187 = arith.constant 7 : i32
    %and3A_188 = vector.broadcast %and3A_187 : i32 to vector<8x128xi32>
    %and3A_189 = arith.andi %iota3A_186, %and3A_188 : vector<8x128xi32>
    %iota3A_190 = tpu.iota {dimensions = array<i32: 0>} : vector<8x128xi32>
    %eq3A_191 = arith.cmpi eq, %and3A_189, %iota3A_190 : vector<8x128xi32>
    %convert_element_type3A_192 = arith.extui %eq3A_191 : vector<8x128xi1> to vector<8x128xi32>
    %convert_element_type3A_193 = arith.sitofp %convert_element_type3A_192 : vector<8x128xi32> to vector<8x128xf32>
    %dot_general3A_194 = arith.constant dense<0.000000e+00> : vector<128x128xf32>
    %dot_general3A_195 = tpu.matmul %div3A_185, %convert_element_type3A_193, %dot_general3A_194 {dimension_numbers = #tpu.dot_dimension_numbers<[0], [0], [1], [1], [0, 1, 1, 1], [], []>, transpose_lhs_hint = false} : vector<8x128xf32>, vector<8x128xf32>, vector<128x128xf32> -> vector<128x128xf32>
    %swap3A_196 = arith.constant 0 : index
    %swap3A_197 = arith.constant 0 : index
    %swap3A_198 = vector.load %arg6[%swap3A_196, %swap3A_197] : memref<128x128xf32, #tpu.memory_space<vmem>>, vector<128x128xf32>
    tpu.vector_store %arg6[%swap3A_196, %swap3A_197], %dot_general3A_195 {strides = array<i32>} : memref<128x128xf32, #tpu.memory_space<vmem>>, vector<128x128xf32>,
    return
  }
  func.func @transform_0(%arg0: i32) -> (i32, i32) {
    %c0_i32 = arith.constant 0 : i32
    %c0_i32_0 = arith.constant 0 : i32
    %c0_i32_1 = arith.constant 0 : i32
    return %c0_i32, %c0_i32_0 : i32, i32
  }
  func.func @transform_1(%arg0: i32) -> (i32, i32) {
    %c0_i32 = arith.constant 0 : i32
    %c0_i32_0 = arith.constant 0 : i32
    %c0_i32_1 = arith.constant 0 : i32
    return %c0_i32, %c0_i32_0 : i32, i32
  }
  func.func @transform_2(%arg0: i32) -> (i32, i32) {
    %c0_i32 = arith.constant 0 : i32
    %c0_i32_0 = arith.constant 0 : i32
    %c0_i32_1 = arith.constant 0 : i32
    return %c0_i32, %c0_i32_0 : i32, i32
  }
  func.func @transform_3(%arg0: i32) -> (i32, i32) {
    %c0_i32 = arith.constant 0 : i32
    %c0_i32_0 = arith.constant 0 : i32
    %c0_i32_1 = arith.constant 0 : i32
    return %c0_i32, %c0_i32_0 : i32, i32
  }
  func.func @transform_4(%arg0: i32) -> (i32, i32) {
    %c0_i32 = arith.constant 0 : i32
    %c0_i32_0 = arith.constant 0 : i32
    %c0_i32_1 = arith.constant 0 : i32
    return %c0_i32, %c0_i32_0 : i32, i32
  }
  func.func @transform_5(%arg0: i32) -> (i32, i32) {
    %c0_i32 = arith.constant 0 : i32
    %c0_i32_0 = arith.constant 0 : i32
    %c0_i32_1 = arith.constant 0 : i32
    return %c0_i32, %c0_i32_0 : i32, i32
  }
}

</mosaic_0001>

<sc_bundles>
// kernel: kernel.4.cloned.1.call-start
scs
__scs_entry_jumppad:
0x0: {  	(pc) =	sbr.rel $0x88, $3  }
0x1: {  	(tag) =	ssettag $0x0;
	lr =	simm.s32 $0x1  }
0x2: {  	[smem:$0x3F9A] =	sst lr;
	_ =	strace $0xD0000000  }
0x3: {  	_ = 	snop  }
0x4: {  	_ = 	snop  }
0x5: {  	_ = 	snop  }
0x6: {  	_ = 	snop  }
0x7: {  	_ = 	snop  }
__scs_overlays_trampoline_lowered:
0x8: {  	[smem:$0x3FA9] =	sst s0  }
0x9: {  	[smem:$0x3FAA] =	sst s1  }
0xa: {  	[smem:$0x3FAB] =	sst s2  }
0xb: {  	[smem:$0x3FAC] =	sst s3  }
0xc: {  	[smem:$0x3FAD] =	sst s4  }
0xd: {  	[smem:$0x3FAE] =	sst s5  }
0xe: {  	[smem:$0x3FAF] =	sst s6  }
0xf: {  	[smem:$0x3FB0] =	sst s7  }
0x10: {  	[smem:$0x3FB1] =	sst s8  }
0x11: {  	[smem:$0x3FB2] =	sst s9;
	s0 =	simm.s32 @!p0 $0x0  }
0x12: {  	s1 =	sld [smem:$0x3F98];
	s0 =	simm.s32 @p0 $0x1  }
0x13: {  	[smem:$0x3FB3] =	sst s0;
	s0 =	simm.s32 @!p1 $0x0  }
0x14: {  	s2 =	sld [smem:$0x3F97];
	s0 =	simm.s32 @p1 $0x1  }
0x15: {  	[smem:$0x3FB4] =	sst s0;
	s0 =	simm.s32 @!p2 $0x0  }
0x16: {  	s3 =	sld [smem:$0x3FDB];
	s0 =	simm.s32 @p2 $0x1  }
0x17: {  	s4 =	simm.s32 $0x1BF5;
	[smem:$0x3FB6] =	sst s0  }
0x18: {  	s0 =	sld [smem:$0x3F99];
	_ =	swait.ge [sflag:s4], $0x0  }
0x19: {  	s7 =	sld [smem:$0x3F9A]  }
0x1a: {  	s8 =	sadd.s32 $0xFFFFE003, lr  }
0x1b: {  	s9 =	sadd.s32 $0xFFFFFEF7, lr;
	s5 =	simm.s32 $0xFFFFFFFF;
	p2 =	slt.u32 s8, $0xFFFFF086  }
0x1c: {  	p1 =	slt.u32 s9, $0xF7A;
	s5 =	simm.s32 @!p2 $0x0  }
0x1d: {  	s5 =	simm.s32 @p1 $0x1;
	p0 =	seq.s32 s7, s2  }
0x1e: {  	s7 =	smul.u32 @!p0 $0xF7A, s2;
	p2 =	seq.s32 @!p0 s5, $0x0  }
0x1f: {  	s9 =	smul.u32 $0xF7A, s1;
	s8 =	simm.s32 @!p0 $0x1BF5;
	p2 =	por !p2, p0  }
0x20: {  	[sflag:s8] =	ssyncset.s32 @!p0 $0xFFFFF086;
	s6 =	sadd.s32 @!p0 s3, s7;
	s7 =	simm.s32 @!p0 $0x108  }
0x21: {  	s3 =	sadd.s32 s3, s9;
	s6 =	sadd.s32 @!p0 $0x88, s6;
	s7 =	simm.s32 @p2 $0x1082  }
0x22: {  	[simem:s7], [sflag:s8] =	dma.local @!p0 [hbm:s6], $0xF7A  }
0x23: {  	s9 =	sor.u32 $0xD0000000, s2;
	s6 =	simm.s32 $0x108;
	_ =	swait.ge @!p0 [sflag:s8], $0x0  }
0x24: {  	s3 =	sadd.s32 $0x88, s3;
	s6 =	simm.s32 @!p1 $0x1082;
	[sflag:s4] =	ssyncset.s32 $0xFFFFF086  }
0x25: {  	[simem:s6], [sflag:s4] =	dma.local [hbm:s3], $0xF7A  }
0x26: {  	[smem:$0x3F9A] =	sst s1;
	(tag) =	ssettag s2;
	_ =	strace s9  }
0x27: {  	s1 =	sld [smem:$0x3FAA]  }
0x28: {  	s2 =	sld [smem:$0x3FAB]  }
0x29: {  	s4 =	sld [smem:$0x3FAD]  }
0x2a: {  	p0 =	seq.s32 s5, $0x0;
	s5 =	sld [smem:$0x3FAE]  }
0x2b: {  	s6 =	sld [smem:$0x3FAF]  }
0x2c: {  	s7 =	sld [smem:$0x3FB0]  }
0x2d: {  	s3 =	simm.s32 $0x108;
	s8 =	sld [smem:$0x3FB1]  }
0x2e: {  	s3 =	simm.s32 @!p0 $0x1082;
	s9 =	sld [smem:$0x3FB2]  }
0x2f: {  	lr =	sadd.s32 s0, s3;
	s0 =	sld [smem:$0x3FA9]  }
0x30: {  	s3 =	sld [smem:$0x3FAC]  }
0x31: {  	[smem:$0x3FB5] =	sst s10  }
0x32: {  	s10 =	sld [smem:$0x3FB3];
	_ =	sdelay $0x3  }
0x33: {  	p0 =	seq.s32 s10, $0x1;
	s10 =	sld [smem:$0x3FB5];
	_ =	sdelay $0x3  }
0x34: {  	[smem:$0x3FB5] =	sst s10  }
0x35: {  	s10 =	sld [smem:$0x3FB4];
	_ =	sdelay $0x3  }
0x36: {  	p1 =	seq.s32 s10, $0x1;
	s10 =	sld [smem:$0x3FB5];
	_ =	sdelay $0x3  }
0x37: {  	[smem:$0x3FB5] =	sst s10  }
0x38: {  	s10 =	sld [smem:$0x3FB6]  }
0x39: {  	_ = 	snop;
	(pc) =	sbr.ind lr, $3  }
0x3a: {  	_ = 	snop  }
0x3b: {  	_ = 	snop  }
0x3c: {  	p2 =	seq.s32 s10, $0x1;
	s10 =	sld [smem:$0x3FB5]  }
0x3d: {  	_ =	shalt  }
0x3e: {  	_ =	shalt  }
0x3f: {  	_ =	shalt  }
0x40: {  	_ =	shalt  }
0x41: {  	_ =	shalt  }
0x42: {  	_ =	shalt  }
0x43: {  	_ =	shalt  }
0x44: {  	_ =	shalt  }
0x45: {  	_ =	shalt  }
0x46: {  	_ =	shalt  }
0x47: {  	_ =	shalt  }
0x48: {  	_ =	shalt  }
0x49: {  	_ =	shalt  }
0x4a: {  	_ =	shalt  }
0x4b: {  	_ =	shalt  }
0x4c: {  	_ =	shalt  }
0x4d: {  	_ =	shalt  }
0x4e: {  	_ =	shalt  }
0x4f: {  	_ =	shalt  }
0x50: {  	_ =	shalt  }
0x51: {  	_ =	shalt  }
0x52: {  	_ =	shalt  }
0x53: {  	_ =	shalt  }
0x54: {  	_ =	shalt  }
0x55: {  	_ =	shalt  }
0x56: {  	_ =	shalt  }
0x57: {  	_ =	shalt  }
0x58: {  	_ =	shalt  }
0x59: {  	_ =	shalt  }
0x5a: {  	_ =	shalt  }
0x5b: {  	_ =	shalt  }
0x5c: {  	_ =	shalt  }
0x5d: {  	_ =	shalt  }
0x5e: {  	_ =	shalt  }
0x5f: {  	_ =	shalt  }
0x60: {  	_ =	shalt  }
0x61: {  	_ =	shalt  }
0x62: {  	_ =	shalt  }
0x63: {  	_ =	shalt  }
0x64: {  	_ =	shalt  }
0x65: {  	_ =	shalt  }
0x66: {  	_ =	shalt  }
0x67: {  	_ =	shalt  }
0x68: {  	_ =	shalt  }
0x69: {  	_ =	shalt  }
0x6a: {  	_ =	shalt  }
0x6b: {  	_ =	shalt  }
0x6c: {  	_ =	shalt  }
0x6d: {  	_ =	shalt  }
0x6e: {  	_ =	shalt  }
0x6f: {  	_ =	shalt  }
0x70: {  	_ =	shalt  }
0x71: {  	_ =	shalt  }
0x72: {  	_ =	shalt  }
0x73: {  	_ =	shalt  }
0x74: {  	_ =	shalt  }
0x75: {  	_ =	shalt  }
0x76: {  	_ =	shalt  }
0x77: {  	_ =	shalt  }
0x78: {  	_ =	shalt  }
0x79: {  	_ =	shalt  }
0x7a: {  	_ =	shalt  }
0x7b: {  	_ =	shalt  }
0x7c: {  	_ =	shalt  }
0x7d: {  	_ =	shalt  }
0x7e: {  	_ =	shalt  }
0x7f: {  	_ =	shalt  }
0x80: {  	_ =	shalt  }
0x81: {  	_ =	shalt  }
0x82: {  	_ =	shalt  }
0x83: {  	_ =	shalt  }
0x84: {  	_ =	shalt  }
0x85: {  	_ =	shalt  }
0x86: {  	_ =	shalt  }
0x87: {  	_ =	shalt  }
.Lfunc_end0:
.L_simem_size_0:
called_computation_lowered:
.L_overlay_start_0:
0x88: {  	s2 =	sld [smem:$0x3FD9]  }
0x89: {  	s3 =	sld [smem:$0x3FFE];
	_ =	sdelay $0x1  }
0x8a: {  	s1 =	srdreg.scid  }
0x8b: {  	s0 =	sand.u32 $0x1, s1  }
0x8c: {  	s14 =	sshll.u32 s0, $0xA;
	s2 =	sadd.s32 s3, s2  }
0x8d: {  	s2 =	sadd.s32 s2, s14  }
0x8e: {  	[smem:$0x3FC1] =	sst s2  }
0x8f: {  	_ = 	snop  }
0x90: {  	s2 =	sld [smem:$0x3FD0]  }
0x91: {  	s15 =	sld [smem:$0x3FC9]  }
0x92: {  	s4 =	sld [smem:$0x3FC8]  }
0x93: {  	s6 =	simm.s32 $0xA;
	s7 =	simm.s32 $0x10;
	s5 =	sld [smem:$0x3FC3]  }
0x94: {  	[smem:s7], [sflag:s6] =	dma.local [hbm:s2], $0x1  }
0x95: {  	_ =	swait.eq [sflag:s6], $0x1  }
0x96: {  	[sflag:s6] =	ssyncset.done $0x0  }
0x97: {  	s16 =	sld [smem:$0x11];
	[sflag:s6] =	ssyncadd.s32 $0xFFFFFFFF  }
0x98: {  	s17 =	sld [smem:$0x12];
	(tm) =	ssettm $0x1  }
0x99: {  	s18 =	sld [smem:$0x3FFB];
	_ =	sdelay $0x3  }
0x9a: {  	_ =	strace s18  }
0x9b: {  	s7 =	sld [smem:$0x3FFC];
	_ =	sdelay $0x3  }
0x9c: {  	_ =	strace s7  }
0x9d: {  	s7 =	sld [smem:$0x3FFD];
	_ =	sdelay $0x3  }
0x9e: {  	_ =	strace s7  }
0x9f: {  	_ =	strace $0x8FFFFFFF  }
0xa0: {  	s19 =	sld [smem:$0x3FDB];
	_ =	sdelay $0x1  }
0xa1: {  	s8 =	simm.s32 $_scs_section_size  }
0xa2: {  	s9 =	simm.s32 $_size__tile_overlayer_lowered;
	s10 =	simm.s32 $_tile_overlayer_lowered  }
0xa3: {  	s22 =	simm.s32 $0x1BFF;
	s21 =	sshll.u32 s10, $0x1;
	s7 =	sadd.s32 s8, s19  }
0xa4: {  	s11 =	simm.s32 $0x0;
	s20 =	sshll.u32 s9, $0x1;
	s9 =	sadd.s32 s21, s7  }
0xa5: {  	[timem:s11], [sflag:s22] =	dma.local [hbm:s9], s20  }
0xa6: {  	_ =	swait.ge [sflag:s22], s20  }
0xa7: {  	s8 =	ssub.s32 $0x0, s20;
	[sflag:s22] =	ssyncset.done $0x0  }
0xa8: {  	[sflag:s22] =	ssyncadd.s32 s8;
	_ =	sdelay $0x1  }
0xa9: {  	s23 =	simm.s32 $0x1B8B  }
0xaa: {  	_ =	swait.ge [sflag:s23], $0x1  }
0xab: {  	[sflag:s23] =	ssyncset.done $0x0  }
0xac: {  	s25 =	simm.s32 $0x1B8E;
	s24 =	sld [smem:$0x3FFE];
	[sflag:s23] =	ssyncadd.s32 $0xFFFFFFFF  }
0xad: {  	s26 =	simm.s32 $execute0_lowered;
	[smem:$0x3FD2] =	sst s25  }
0xae: {  	s9 =	sshll.u32 s26, $0x1;
	_ =	strace $0x80000046;
	[dreg:$0x1] =	wrdreg $0xFFFFFFFF  }
0xaf: {  	s28 =	simm.s32 $_size_execute0_lowered;
	s7 =	sadd.s32 s7, s9;
	[dreg:$0x0] =	wrdreg $0x0  }
0xb0: {  	s9 =	sshll.u32 s28, $0x1;
	[dreg:$0x2] =	wrdreg s7  }
0xb1: {  	[dreg:$0x3] =	wrdreg s9  }
0xb2: {  	[dreg:$0x4] =	wrdreg $0xC0  }
0xb3: {  	_ =	task [dreg:s11], $0x5FFFF  }
0xb4: {  	[dreg:$0x1] =	wrdreg $0xFFFFFFFF  }
0xb5: {  	[dreg:$0x0] =	wrdreg $0x60  }
0xb6: {  	[dreg:$0x2] =	wrdreg s15  }
0xb7: {  	[dreg:$0x3] =	wrdreg s4  }
0xb8: {  	[dreg:$0x4] =	wrdreg s5  }
0xb9: {  	[dreg:$0x5] =	wrdreg s24  }
0xba: {  	[dreg:$0x6] =	wrdreg s16  }
0xbb: {  	[dreg:$0x7] =	wrdreg s17  }
0xbc: {  	[dreg:$0x8] =	wrdreg $0x9  }
0xbd: {  	_ =	task.clear_ibuf [dreg:s11], $0x9FFFF;
	_ =	strace $0x90000046  }
0xbe: {  	s29 =	simm.s32 $0x9;
	_ =	strace $0x80000048  }
0xbf: {  	_ =	swait.ge [sflag:s29], $0x1  }
0xc0: {  	[sflag:s29] =	ssyncadd.s32 $0xFFFFFFFF  }
0xc1: {  	_ =	strace $0x90000048  }
0xc2: {  	_ =	sfence  }
0xc3: {  	s30 =	sld [smem:$0x0];
	_ =	sdelay $0x2  }
0xc4: {  	s31 =	sshll.u32 s1, $0xD;
	s1 =	sshrl.u32 s1, $0x2  }
0xc5: {  	s3 =	sand.u32 $0x4000, s31;
	s1 =	sadd.s32 s1, s30  }
0xc6: {  	s0 =	sor.u32 s3, s0;
	s1 =	sshll.u32 s1, $0x11  }
0xc7: {  	s0 =	sor.u32 s1, s0  }
0xc8: {  	s0 =	sadd.s32 $0x8F2B, s0  }
0xc9: {  	[sflag:s0] =	ssyncadd.remote.s32 $0x1  }
0xca: {  	_ =	sfence.sel $0xFFFF  }
0xcb: {  	[dreg:$0x0] =	wrdreg $0xFFFFFFFF;
	(pc) =	sbr.abs _section_cstart, $3  }
0xcc: {  	[dreg:$0x1] =	wrdreg $0xFFFFFFFF  }
0xcd: {  	_ =	task.clear_ibuf [dreg:s11], $0x2FFFF;
	_ =	strace $0x9FFFFFFF  }
0xce: {  	(tm) =	ssettm $0x7FFFFFFF  }
0xcf: {  	_ =	shalt  }
tec
execute0_lowered:
.L_overlay_start_1:
0x0: {  	(tag) =	ssettag $0x1  }
0x1: {  	s0 =	rddreg [dreg:$0x0]  }
0x2: {  	s1 =	rddreg [dreg:$0x1]  }
0x3: {  	s2 =	rddreg [dreg:$0x3]  }
0x4: {  	s3 =	rddreg [dreg:$0x5]  }
0x5: {  	s5 =	srdreg.scid;
	s4 =	stileid.u32  }
0x6: {  	s9 =	simm.s32 $0x0;
	s6 =	sand.u32 $0x1, s5;
	s23 =	sshll.u32 s4, $0x1  }
0x7: {  	[smem:$0x7FF] =	sst s9;
	s24 =	sadd.s32 $0x1800, s2;
	s10 =	sor.u32 s6, s23  }
0x8: {  	v0 =	vimm.s32 $0xECA86420;
	vm0 =	vcmask $0xB08;
	vm1 =	vcmask $0x1310;
	_ =	strace $0x80000047;
	[dreg:$0x7] =	wrdreg s24;
	s8 =	sshll.u32 s10, $0x6  }
0x9: {  	vm2 =	vcmask $0x1B18;
	vm3 =	vcmask $0x300;
	vm4 =	vcmask $0x2320;
	s6 =	ssub.s32 $0x2, s6;
	s7 =	sshll.u32 s10, $0xA;
	s0 =	sadd.s32 s0, s8  }
0xa: {  	vm5 =	vcmask $0x2B28;
	vm6 =	vcmask $0x3330;
	vm7 =	vcmask $0x3B38;
	s2 =	sadd.s32 s7, s2;
	s26 =	sadd.s32 s1, s8;
	[dreg:$0x8] =	wrdreg s0  }
0xb: {  	v2 =	vlaneseq.u32;
	vm8 =	vmmov $0xff;
	vm9 =	vcmask $0x704;
	s25 =	sshrl.u32 s6, $0x1;
	[dreg:$0x9] =	wrdreg s26;
	s28 =	sadd.s32 $0x22000, s2  }
0xc: {  	vm10 =	vcmask $0xF0C;
	vm11 =	vcmask $0x1714;
	vm12 =	vcmask $0x1F1C;
	s30 =	sshll.u32 s10, $0x9;
	s29 =	sadd.s32 $0x1A000, s2;
	[dreg:$0xa] =	wrdreg s28  }
0xd: {  	vm13 =	vcmask $0x2724;
	vm14 =	vcmask $0x2F2C;
	v0 =	vunpack.c.l.s4.s8 v0;
	s11 =	ssub.s32 s6, s25;
	s0 =	sadd.s32 s3, s30;
	[dreg:$0xb] =	wrdreg s29  }
0xe: {  	vm15 =	vcmask $0x3734;
	s4 =	simm.s32 $0x200;
	v1 =	vmul.u32 $0x2, v2;
	v3 =	vand.u32 $0x7, v2;
	s31 =	smax.u32 s11, $0x1;
	[dreg:$0xc] =	wrdreg s0  }
0xf: {  	v2 =	vshrl.u32 v2, $0x3;
	v3 =	vmul.u32 $0x80, v3;
	v0 =	vunpack.c.0.s8.s32 v0;
	s1 =	simm.s32 $0x3;
	s2 =	simm.s32 $0x0;
	[dreg:$0xd] =	wrdreg s31  }
.LBB2_1:
0x10: {  	[dreg:$0xe] =	wrdreg s2  }
0x11: {  	s0 =	rddreg [dreg:$0x8]  }
0x12: {  	[tilespmem:s9], [sflag:$0x3] =	stream.linear.gather [hbm4b:s0+s9], $0x200, $0x38;
	[tilespmem:$0x8800] =	vst v63  }
0x13: {  	_ =	swait.ge [sflag:s1], $0x200  }
0x14: {  	[sflag:s1] =	ssyncset.done $0x0  }
0x15: {  	s26 =	rddreg [dreg:$0x9];
	[sflag:s1] =	ssyncadd.s32 $0xFFFFFE00  }
0x16: {  	[tilespmem:s4], [sflag:$0x3] =	stream.linear.gather [hbm4b:s26+s9], $0x200, $0x38;
	[tilespmem:$0x8800] =	vst v63  }
0x17: {  	_ =	swait.ge [sflag:s1], $0x200  }
0x18: {  	[sflag:s1] =	ssyncset.done $0x0  }
0x19: {  	[sflag:s1] =	ssyncadd.s32 $0xFFFFFE00  }
0x1a: {  	v4 =	vld [tilespmem:$0x200]  }
0x1b: {  	v5 =	vld [tilespmem:$0x210]  }
0x1c: {  	v6 =	vld [tilespmem:$0x220]  }
0x1d: {  	v7 =	vld [tilespmem:$0x230]  }
0x1e: {  	v8 =	vld [tilespmem:$0x240]  }
0x1f: {  	v9 =	vld [tilespmem:$0x250];
	v4 =	vshll.u32 v4, $0x3  }
0x20: {  	[tilespmem:$0x600] =	vst v4;
	v4 =	vshll.u32 v5, $0x3;
	v5 =	vld [tilespmem:$0x260]  }
0x21: {  	v44 =	vld [tilespmem:$0x270];
	[tilespmem:$0x610] =	vst v4;
	v4 =	vshll.u32 v6, $0x3  }
0x22: {  	v45 =	vld [tilespmem:$0x280];
	[tilespmem:$0x620] =	vst v4;
	v4 =	vshll.u32 v7, $0x3  }
0x23: {  	v46 =	vld [tilespmem:$0x290];
	[tilespmem:$0x630] =	vst v4;
	v4 =	vshll.u32 v8, $0x3  }
0x24: {  	v47 =	vld [tilespmem:$0x2A0];
	[tilespmem:$0x640] =	vst v4;
	v4 =	vshll.u32 v9, $0x3  }
0x25: {  	[tilespmem:$0x650] =	vst v4;
	v4 =	vshll.u32 v5, $0x3;
	v5 =	vld [tilespmem:$0x2B0]  }
0x26: {  	v48 =	vld [tilespmem:$0x2C0];
	[tilespmem:$0x660] =	vst v4;
	v4 =	vshll.u32 v44, $0x3  }
0x27: {  	v49 =	vld [tilespmem:$0x2D0];
	[tilespmem:$0x670] =	vst v4;
	v4 =	vshll.u32 v45, $0x3  }
0x28: {  	v50 =	vld [tilespmem:$0x2E0];
	[tilespmem:$0x680] =	vst v4;
	v4 =	vshll.u32 v46, $0x3  }
0x29: {  	v51 =	vld [tilespmem:$0x2F0];
	[tilespmem:$0x690] =	vst v4;
	v4 =	vshll.u32 v47, $0x3  }
0x2a: {  	[tilespmem:$0x6A0] =	vst v4;
	v4 =	vshll.u32 v5, $0x3;
	v5 =	vld [tilespmem:$0x300]  }
0x2b: {  	v52 =	vld [tilespmem:$0x310];
	[tilespmem:$0x6B0] =	vst v4;
	v4 =	vshll.u32 v48, $0x3  }
0x2c: {  	v53 =	vld [tilespmem:$0x320];
	[tilespmem:$0x6C0] =	vst v4;
	v4 =	vshll.u32 v49, $0x3  }
0x2d: {  	v54 =	vld [tilespmem:$0x330];
	[tilespmem:$0x6D0] =	vst v4;
	v4 =	vshll.u32 v50, $0x3  }
0x2e: {  	v55 =	vld [tilespmem:$0x340];
	[tilespmem:$0x6E0] =	vst v4;
	v4 =	vshll.u32 v51, $0x3  }
0x2f: {  	[tilespmem:$0x6F0] =	vst v4;
	v4 =	vshll.u32 v5, $0x3;
	v5 =	vld [tilespmem:$0x350]  }
0x30: {  	v56 =	vld [tilespmem:$0x360];
	[tilespmem:$0x700] =	vst v4;
	v4 =	vshll.u32 v52, $0x3  }
0x31: {  	v57 =	vld [tilespmem:$0x370];
	[tilespmem:$0x710] =	vst v4;
	v4 =	vshll.u32 v53, $0x3  }
0x32: {  	v58 =	vld [tilespmem:$0x380];
	[tilespmem:$0x720] =	vst v4;
	v4 =	vshll.u32 v54, $0x3  }
0x33: {  	v59 =	vld [tilespmem:$0x390];
	[tilespmem:$0x730] =	vst v4;
	v4 =	vshll.u32 v55, $0x3  }
0x34: {  	[tilespmem:$0x740] =	vst v4;
	v4 =	vshll.u32 v5, $0x3;
	v5 =	vld [tilespmem:$0x3A0]  }
0x35: {  	v60 =	vld [tilespmem:$0x3B0];
	[tilespmem:$0x750] =	vst v4;
	v4 =	vshll.u32 v56, $0x3  }
0x36: {  	v61 =	vld [tilespmem:$0x3C0];
	[tilespmem:$0x760] =	vst v4;
	v4 =	vshll.u32 v57, $0x3  }
0x37: {  	v62 =	vld [tilespmem:$0x3D0];
	[tilespmem:$0x770] =	vst v4;
	v4 =	vshll.u32 v58, $0x3  }
0x38: {  	v63 =	vld [tilespmem:$0x3E0];
	[tilespmem:$0x780] =	vst v4;
	v4 =	vshll.u32 v59, $0x3  }
0x39: {  	[tilespmem:$0x790] =	vst v4;
	v4 =	vshll.u32 v5, $0x3;
	v5 =	vld [tilespmem:$0x3F0]  }
0x3a: {  	[tilespmem:$0x7A0] =	vst v4;
	v4 =	vshll.u32 v60, $0x3  }
0x3b: {  	[tilespmem:$0x7B0] =	vst v4;
	v4 =	vshll.u32 v61, $0x3  }
0x3c: {  	[tilespmem:$0x7C0] =	vst v4;
	v4 =	vshll.u32 v62, $0x3  }
0x3d: {  	[tilespmem:$0x7D0] =	vst v4;
	v4 =	vshll.u32 v63, $0x3  }
0x3e: {  	s30 =	simm.s32 $0x600;
	s31 =	simm.s32 $0x3800;
	s28 =	simm.s32 $0x420;
	[tilespmem:$0x7E0] =	vst v4;
	v4 =	vshll.u32 v5, $0x3  }
0x3f: {  	s0 =	simm.s32 $0xFFFFFFFC;
	s26 =	simm.s32 $0x20;
	s29 =	rddreg [dreg:$0x4];
	[tilespmem:$0x7F0] =	vst v4  }
0x40: {  	[tilespmem:s31], [sflag:$0x2] =	stream.indirect.gather [hbm4b:s29+s4], $0x10, s30, s4, $0xb8;
	[tilespmem:$0x8800] =	vst v63  }
.LBB2_2:
0x41: {  	v4 =	vld [tilespmem:s26+$0xFFFFFFE0];
	_ =	sdelay $0x4  }
0x42: {  	(v2sf) =	vpush v4, $0xD;
	_ =	sdelay $0x1  }
0x43: {  	(v2sf) =	vpush v4, $0xC;
	_ =	sdelay $0x1  }
0x44: {  	(v2sf) =	vpush v4, $0xE;
	_ =	sdelay $0x1  }
0x45: {  	(v2sf) =	vpush v4, $0xF;
	_ =	sdelay $0x1  }
0x46: {  	(v2sf) =	vpush v4, $0x9;
	_ =	sdelay $0x1  }
0x47: {  	(v2sf) =	vpush v4, $0x8;
	_ =	sdelay $0x1  }
0x48: {  	(v2sf) =	vpush v4, $0xA;
	_ =	sdelay $0x1  }
0x49: {  	(v2sf) =	vpush v4, $0xB  }
0x4a: {  	s3 =	spop (v2sf)  }
0x4b: {  	[dreg:$0xf] =	wrdreg s0;
	(v2sf) =	vpush v4, $0x0;
	s1 =	smulhi.u32 $0x5397829D, s3;
	s0 =	sshra.s32 s3, $0x1F  }
0x4c: {  	s2 =	spop (v2sf);
	(v2sf) =	vpush v4, $0x1;
	s0 =	smul.u32 $0x5397829D, s0  }
0x4d: {  	s3 =	smulhi.u32 $0x5397829D, s2;
	s2 =	sshra.s32 s2, $0x1F;
	(v2sf) =	vpush v4, $0x2  }
0x4e: {  	s14 =	spop (v2sf);
	s2 =	smul.u32 $0x5397829D, s2;
	(v2sf) =	vpush v4, $0x3  }
0x4f: {  	s15 =	smulhi.u32 $0x5397829D, s14;
	s14 =	sshra.s32 s14, $0x1F;
	(v2sf) =	vpush v4, $0x4  }
0x50: {  	s16 =	spop (v2sf);
	s14 =	smul.u32 $0x5397829D, s14;
	(v2sf) =	vpush v4, $0x5  }
0x51: {  	s4 =	smulhi.u32 $0x5397829D, s16;
	s6 =	sshra.s32 s16, $0x1F;
	(v2sf) =	vpush v4, $0x6  }
0x52: {  	s29 =	sadd.s32 s0, s1;
	s19 =	spop (v2sf);
	s18 =	smul.u32 $0x5397829D, s6;
	(v2sf) =	vpush v4, $0x7  }
0x53: {  	s16 =	sshrl.u32 s29, $0x1F;
	s7 =	smulhi.u32 $0x5397829D, s19;
	s8 =	sshra.s32 s19, $0x1F  }
0x54: {  	s0 =	sadd.s32 s2, s3;
	s9 =	spop (v2sf);
	s3 =	smul.u32 $0x5397829D, s8  }
0x55: {  	s29 =	sshra.s32 s29, $0xB;
	s10 =	smulhi.u32 $0x5397829D, s9;
	s11 =	sshra.s32 s9, $0x1F  }
0x56: {  	s30 =	sadd.s32 s14, s15;
	s23 =	spop (v2sf);
	s15 =	smul.u32 $0x5397829D, s11  }
0x57: {  	s5 =	sshrl.u32 s0, $0x1F;
	s12 =	smulhi.u32 $0x5397829D, s23;
	s22 =	sshra.s32 s23, $0x1F  }
0x58: {  	s0 =	sshra.s32 s0, $0xB;
	s24 =	spop (v2sf);
	s6 =	smul.u32 $0x5397829D, s22  }
0x59: {  	s3 =	sadd.s32 s3, s7;
	s25 =	smulhi.u32 $0x5397829D, s24;
	s7 =	sshra.s32 s24, $0x1F  }
0x5a: {  	s31 =	sadd.s32 s18, s4;
	s7 =	smul.u32 $0x5397829D, s7;
	s8 =	spop (v2sf)  }
0x5b: {  	s9 =	smulhi.u32 $0x5397829D, s8;
	s8 =	sshra.s32 s8, $0x1F;
	s17 =	spop (v2sf)  }
0x5c: {  	s14 =	sadd.s32 s15, s10;
	s8 =	smul.u32 $0x5397829D, s8;
	s4 =	spop (v2sf)  }
0x5d: {  	s10 =	smulhi.u32 $0x5397829D, s17;
	s17 =	sshra.s32 s17, $0x1F;
	s11 =	spop (v2sf)  }
0x5e: {  	s19 =	sshrl.u32 s30, $0x1F;
	s17 =	smul.u32 $0x5397829D, s17;
	s13 =	spop (v2sf)  }
0x5f: {  	s22 =	smulhi.u32 $0x5397829D, s4;
	s4 =	sshra.s32 s4, $0x1F;
	s21 =	spop (v2sf)  }
0x60: {  	s15 =	sadd.s32 s6, s12;
	s4 =	smul.u32 $0x5397829D, s4;
	s6 =	spop (v2sf)  }
0x61: {  	s1 =	sadd.s32 s7, s25;
	s7 =	smulhi.u32 $0x5397829D, s11;
	s12 =	spop (v2sf)  }
0x62: {  	s23 =	sshrl.u32 s31, $0x1F;
	s24 =	smulhi.u32 $0x5397829D, s12;
	s2 =	sshra.s32 s12, $0x1F  }
0x63: {  	s18 =	sshrl.u32 s3, $0x1F;
	s20 =	sshrl.u32 s14, $0x1F;
	s2 =	smul.u32 $0x5397829D, s2  }
0x64: {  	s8 =	sadd.s32 s8, s9;
	s11 =	sshra.s32 s11, $0x1F;
	s10 =	sadd.s32 s17, s10  }
0x65: {  	s17 =	sshrl.u32 s15, $0x1F;
	s11 =	smul.u32 $0x5397829D, s11;
	s2 =	sadd.s32 s2, s24  }
0x66: {  	s25 =	sshrl.u32 s8, $0x1F;
	s4 =	sadd.s32 s4, s22;
	s24 =	sshra.s32 s2, $0x1F  }
0x67: {  	v6 =	vmov s5;
	s22 =	sshrl.u32 s1, $0x1F;
	s9 =	smulhi.u32 $0x5397829D, s21;
	s12 =	sshra.s32 s8, $0xB;
	v5 =	vmov s24  }
0x68: {  	v6 =	vsel vm0, s16, v6;
	v7 =	vmov s25;
	s25 =	sshra.s32 s21, $0x1F;
	s16 =	sshra.s32 s10, $0xB;
	s8 =	sshra.s32 s8, $0x1F;
	v5 =	vsel vm3, s12, v5  }
0x69: {  	v48 =	vmov s0;
	s7 =	sadd.s32 s11, s7;
	s11 =	smulhi.u32 $0x5397829D, s13;
	s13 =	sshra.s32 s13, $0x1F;
	v5 =	vsel vm9, s8, v5  }
0x6a: {  	v6 =	vsel vm1, s19, v6;
	s21 =	sshra.s32 s10, $0x1F;
	v7 =	vnsel vm3, $0x0, v7;
	s5 =	smul.u32 $0x5397829D, s13;
	s24 =	sshrl.u32 s10, $0x1F;
	v5 =	vsel vm0, s16, v5  }
0x6b: {  	v8 =	vmov s20;
	s13 =	smul.u32 $0x5397829D, s25;
	s25 =	sshra.s32 s4, $0xB;
	s12 =	sshrl.u32 s4, $0x1F;
	v7 =	vsel vm0, s24, v7;
	v5 =	vsel vm10, s21, v5  }
0x6c: {  	v8 =	vsel vm0, s18, v8;
	s19 =	sshrl.u32 s7, $0x1F;
	s5 =	sadd.s32 s5, s11;
	s4 =	sshra.s32 s4, $0x1F;
	v7 =	vsel vm1, s12, v7;
	v5 =	vsel vm1, s25, v5  }
0x6d: {  	v8 =	vsel vm1, s17, v8;
	s24 =	smulhi.u32 $0x5397829D, s6;
	s6 =	sshra.s32 s6, $0x1F;
	v7 =	vsel vm2, s19, v7;
	s19 =	sshra.s32 s7, $0xB;
	v5 =	vsel vm11, s4, v5  }
0x6e: {  	v6 =	vsel vm2, s23, v6;
	v8 =	vsel vm2, s22, v8;
	s9 =	sadd.s32 s13, s9;
	s6 =	smul.u32 $0x5397829D, s6;
	s21 =	sshra.s32 s7, $0x1F;
	v5 =	vsel vm2, s19, v5  }
0x6f: {  	v6 =	vcombine.low v8, v6;
	v8 =	vsel vm0, s29, v48;
	s11 =	sshra.s32 s30, $0xB;
	s18 =	sshrl.u32 s5, $0x1F;
	s23 =	sshra.s32 s5, $0xB;
	v5 =	vsel vm12, s21, v5  }
0x70: {  	v8 =	vsel vm1, s11, v8;
	s6 =	sadd.s32 s6, s24;
	s24 =	sshra.s32 s14, $0xB;
	s25 =	sshra.s32 s5, $0x1F;
	v5 =	vsel vm4, s23, v5  }
0x71: {  	s20 =	sshrl.u32 s9, $0x1F;
	s10 =	sshra.s32 s9, $0xB;
	s8 =	sshra.s32 s3, $0xB;
	v7 =	vsel vm4, s18, v7;
	v9 =	vmov s24;
	v5 =	vsel vm13, s25, v5  }
0x72: {  	s13 =	sshra.s32 s9, $0x1F;
	s12 =	sshra.s32 s15, $0xB;
	s14 =	sshra.s32 s31, $0xB;
	v7 =	vsel vm5, s20, v7;
	v9 =	vsel vm0, s8, v9;
	v5 =	vsel vm5, s10, v5  }
0x73: {  	s15 =	sshra.s32 s1, $0xB;
	s22 =	sshrl.u32 s6, $0x1F;
	s16 =	sshra.s32 s6, $0xB;
	v8 =	vsel vm2, s14, v8;
	v9 =	vsel vm1, s12, v9;
	v5 =	vsel vm14, s13, v5  }
0x74: {  	s17 =	sshrl.u32 s2, $0x1F;
	s18 =	sshra.s32 s6, $0x1F;
	v7 =	vsel vm6, s22, v7;
	v9 =	vsel vm2, s15, v9;
	v5 =	vsel vm6, s16, v5  }
0x75: {  	v7 =	vsel vm7, s17, v7;
	s19 =	sshra.s32 s2, $0xB;
	v8 =	vcombine.low v9, v8;
	v5 =	vsel vm15, s18, v5  }
0x76: {  	v6 =	vperm.xlane v6, v0;
	v7 =	vperm.xlane v7, v1;
	v5 =	vsel vm7, s19, v5  }
0x77: {  	v8 =	vperm.xlane v8, v0;
	v5 =	vperm.xlane v5, v1;
	_ =	sdelay $0x1  }
0x78: {  	v6 =	vsel vm8, v7, v6;
	v5 =	vsel vm8, v5, v8  }
0x79: {  	v5 =	vadd.s32 v6, v5  }
0x7a: {  	v6 =	vmul.u32 $0xFFFFE780, v5;
	_ =	sdelay $0x1  }
0x7b: {  	v4 =	vadd.s32 v4, v6  }
0x7c: {  	v4 =	vshll.u32 v4, $0x3  }
0x7d: {  	v4 =	vadd.s32 v5, v4  }
0x7e: {  	[tilespmem:s28+$0xFFFFFFE0] =	vst v4  }
0x7f: {  	v4 =	vld [tilespmem:s26+$0xFFFFFFF0];
	_ =	sdelay $0x4  }
0x80: {  	(v2sf) =	vpush v4, $0xD;
	_ =	sdelay $0x1  }
0x81: {  	(v2sf) =	vpush v4, $0xC;
	_ =	sdelay $0x1  }
0x82: {  	(v2sf) =	vpush v4, $0xE;
	_ =	sdelay $0x1  }
0x83: {  	(v2sf) =	vpush v4, $0xF;
	_ =	sdelay $0x1  }
0x84: {  	(v2sf) =	vpush v4, $0x9;
	_ =	sdelay $0x1  }
0x85: {  	(v2sf) =	vpush v4, $0x8;
	_ =	sdelay $0x1  }
0x86: {  	(v2sf) =	vpush v4, $0xA;
	_ =	sdelay $0x2  }
0x87: {  	(v2sf) =	vpush v4, $0xB;
	s20 =	spop (v2sf)  }
0x88: {  	(v2sf) =	vpush v4, $0x0;
	s21 =	smulhi.u32 $0x5397829D, s20;
	s0 =	sshra.s32 s20, $0x1F  }
0x89: {  	(v2sf) =	vpush v4, $0x1;
	s22 =	spop (v2sf);
	s0 =	smul.u32 $0x5397829D, s0  }
0x8a: {  	(v2sf) =	vpush v4, $0x2;
	s23 =	smulhi.u32 $0x5397829D, s22;
	s2 =	sshra.s32 s22, $0x1F  }
0x8b: {  	(v2sf) =	vpush v4, $0x3;
	s24 =	spop (v2sf);
	s2 =	smul.u32 $0x5397829D, s2  }
0x8c: {  	(v2sf) =	vpush v4, $0x4;
	s25 =	smulhi.u32 $0x5397829D, s24;
	s4 =	sshra.s32 s24, $0x1F  }
0x8d: {  	(v2sf) =	vpush v4, $0x5;
	s30 =	spop (v2sf);
	s4 =	smul.u32 $0x5397829D, s4  }
0x8e: {  	(v2sf) =	vpush v4, $0x6;
	s31 =	smulhi.u32 $0x5397829D, s30;
	s7 =	sshra.s32 s30, $0x1F  }
0x8f: {  	s29 =	sadd.s32 s0, s21;
	s8 =	spop (v2sf);
	(v2sf) =	vpush v4, $0x7;
	s6 =	smul.u32 $0x5397829D, s7  }
0x90: {  	s16 =	sshrl.u32 s29, $0x1F;
	s0 =	sadd.s32 s2, s23;
	s9 =	smulhi.u32 $0x5397829D, s8  }
0x91: {  	s10 =	sshra.s32 s8, $0x1F;
	s11 =	spop (v2sf);
	s29 =	sshra.s32 s29, $0xB  }
0x92: {  	s7 =	sshrl.u32 s0, $0x1F;
	s3 =	smul.u32 $0x5397829D, s10;
	s30 =	sadd.s32 s4, s25  }
0x93: {  	s12 =	smulhi.u32 $0x5397829D, s11;
	s13 =	sshra.s32 s11, $0x1F;
	s14 =	spop (v2sf)  }
0x94: {  	s0 =	sshra.s32 s0, $0xB;
	s19 =	sshrl.u32 s30, $0x1F;
	s5 =	smul.u32 $0x5397829D, s13  }
0x95: {  	s31 =	sadd.s32 s6, s31;
	s15 =	smulhi.u32 $0x5397829D, s14;
	s20 =	sshra.s32 s14, $0x1F  }
0x96: {  	s21 =	spop (v2sf);
	s6 =	smul.u32 $0x5397829D, s20;
	s3 =	sadd.s32 s3, s9  }
0x97: {  	s2 =	smulhi.u32 $0x5397829D, s21;
	s8 =	sshra.s32 s21, $0x1F;
	s22 =	spop (v2sf)  }
0x98: {  	s8 =	smul.u32 $0x5397829D, s8;
	s9 =	sshra.s32 s22, $0x1F;
	s24 =	spop (v2sf)  }
0x99: {  	s23 =	sshrl.u32 s31, $0x1F;
	s25 =	smul.u32 $0x5397829D, s9;
	s9 =	spop (v2sf)  }
0x9a: {  	s10 =	smulhi.u32 $0x5397829D, s22;
	s14 =	sadd.s32 s5, s12;
	s22 =	spop (v2sf)  }
0x9b: {  	s12 =	smulhi.u32 $0x5397829D, s24;
	s11 =	sshra.s32 s24, $0x1F;
	s17 =	spop (v2sf)  }
0x9c: {  	s15 =	sadd.s32 s6, s15;
	s11 =	smul.u32 $0x5397829D, s11;
	s21 =	spop (v2sf)  }
0x9d: {  	s20 =	smulhi.u32 $0x5397829D, s9;
	s5 =	sshra.s32 s9, $0x1F;
	s6 =	spop (v2sf)  }
0x9e: {  	s1 =	sadd.s32 s8, s2;
	s5 =	smul.u32 $0x5397829D, s5;
	s24 =	spop (v2sf)  }
0x9f: {  	s4 =	sadd.s32 s25, s10;
	s25 =	smulhi.u32 $0x5397829D, s24;
	s2 =	sshra.s32 s24, $0x1F  }
0xa0: {  	s18 =	sshrl.u32 s3, $0x1F;
	s13 =	sshrl.u32 s14, $0x1F;
	s2 =	smul.u32 $0x5397829D, s2  }
0xa1: {  	s9 =	sadd.s32 s11, s12;
	s12 =	sshrl.u32 s15, $0x1F;
	s10 =	sshrl.u32 s4, $0x1F  }
0xa2: {  	s5 =	sadd.s32 s5, s20;
	s20 =	sshrl.u32 s1, $0x1F;
	s2 =	sadd.s32 s2, s25  }
0xa3: {  	s8 =	smulhi.u32 $0x5397829D, s22;
	s22 =	sshra.s32 s22, $0x1F;
	s24 =	sshra.s32 s2, $0x1F  }
0xa4: {  	v51 =	vmov s13;
	s13 =	sshra.s32 s5, $0x1F;
	s11 =	smul.u32 $0x5397829D, s22;
	s25 =	sshra.s32 s4, $0xB;
	v5 =	vmov s24  }
0xa5: {  	v50 =	vmov s10;
	s22 =	sshrl.u32 s9, $0x1F;
	s10 =	smulhi.u32 $0x5397829D, s21;
	s4 =	sshra.s32 s4, $0x1F;
	v5 =	vsel vm3, s25, v5  }
0xa6: {  	v49 =	vmov s7;
	s8 =	sadd.s32 s11, s8;
	s11 =	smulhi.u32 $0x5397829D, s17;
	s25 =	sshra.s32 s9, $0xB;
	v5 =	vsel vm9, s4, v5  }
0xa7: {  	v52 =	vmov s0;
	v6 =	vsel vm0, s16, v49;
	s17 =	sshra.s32 s17, $0x1F;
	s24 =	sshra.s32 s21, $0x1F;
	s21 =	sshra.s32 s9, $0x1F;
	v5 =	vsel vm0, s25, v5  }
0xa8: {  	v6 =	vsel vm1, s19, v6;
	v8 =	vsel vm0, s18, v51;
	s7 =	smul.u32 $0x5397829D, s17;
	s17 =	sshrl.u32 s5, $0x1F;
	s25 =	sshra.s32 s5, $0xB;
	v5 =	vsel vm10, s21, v5  }
0xa9: {  	v6 =	vsel vm2, s23, v6;
	v8 =	vsel vm1, s12, v8;
	s19 =	sshrl.u32 s8, $0x1F;
	s18 =	sshra.s32 s8, $0xB;
	s16 =	smul.u32 $0x5397829D, s24;
	v5 =	vsel vm1, s25, v5  }
0xaa: {  	v7 =	vnsel vm3, $0x0, v50;
	v8 =	vsel vm2, s20, v8;
	s7 =	sadd.s32 s7, s11;
	s24 =	smulhi.u32 $0x5397829D, s6;
	s6 =	sshra.s32 s6, $0x1F;
	v5 =	vsel vm11, s13, v5  }
0xab: {  	v6 =	vcombine.low v8, v6;
	v7 =	vsel vm0, s22, v7;
	s11 =	sshra.s32 s30, $0xB;
	s6 =	smul.u32 $0x5397829D, s6;
	s21 =	sshra.s32 s8, $0x1F;
	v5 =	vsel vm2, s18, v5  }
0xac: {  	v8 =	vsel vm0, s29, v52;
	v7 =	vsel vm1, s17, v7;
	s17 =	sshrl.u32 s7, $0x1F;
	s23 =	sshra.s32 s7, $0xB;
	s10 =	sadd.s32 s16, s10;
	v5 =	vsel vm12, s21, v5  }
0xad: {  	v7 =	vsel vm2, s19, v7;
	v8 =	vsel vm1, s11, v8;
	s6 =	sadd.s32 s6, s24;
	s24 =	sshra.s32 s14, $0xB;
	s25 =	sshra.s32 s7, $0x1F;
	v5 =	vsel vm4, s23, v5  }
0xae: {  	v7 =	vsel vm4, s17, v7;
	s19 =	sshrl.u32 s10, $0x1F;
	s8 =	sshra.s32 s3, $0xB;
	s9 =	sshra.s32 s10, $0xB;
	v53 =	vmov s24;
	v5 =	vsel vm13, s25, v5  }
0xaf: {  	s12 =	sshra.s32 s15, $0xB;
	s14 =	sshra.s32 s31, $0xB;
	v7 =	vsel vm5, s19, v7;
	v9 =	vsel vm0, s8, v53;
	s13 =	sshra.s32 s10, $0x1F;
	v5 =	vsel vm5, s9, v5  }
0xb0: {  	s15 =	sshra.s32 s1, $0xB;
	s22 =	sshrl.u32 s6, $0x1F;
	s16 =	sshra.s32 s6, $0xB;
	v8 =	vsel vm2, s14, v8;
	v9 =	vsel vm1, s12, v9;
	v5 =	vsel vm14, s13, v5  }
0xb1: {  	s17 =	sshrl.u32 s2, $0x1F;
	v7 =	vsel vm6, s22, v7;
	s18 =	sshra.s32 s6, $0x1F;
	v9 =	vsel vm2, s15, v9;
	v5 =	vsel vm6, s16, v5  }
0xb2: {  	s19 =	sshra.s32 s2, $0xB;
	v7 =	vsel vm7, s17, v7;
	v8 =	vcombine.low v9, v8;
	v5 =	vsel vm15, s18, v5  }
0xb3: {  	v6 =	vperm.xlane v6, v0;
	v7 =	vperm.xlane v7, v1;
	v5 =	vsel vm7, s19, v5  }
0xb4: {  	v8 =	vperm.xlane v8, v0;
	v5 =	vperm.xlane v5, v1;
	_ =	sdelay $0x1  }
0xb5: {  	v6 =	vsel vm8, v7, v6;
	v5 =	vsel vm8, v5, v8  }
0xb6: {  	v5 =	vadd.s32 v6, v5  }
0xb7: {  	v6 =	vmul.u32 $0xFFFFE780, v5;
	_ =	sdelay $0x1  }
0xb8: {  	v4 =	vadd.s32 v4, v6  }
0xb9: {  	v4 =	vshll.u32 v4, $0x3  }
0xba: {  	v4 =	vadd.s32 v5, v4  }
0xbb: {  	[tilespmem:s28+$0xFFFFFFF0] =	vst v4  }
0xbc: {  	v4 =	vld [tilespmem:s26+$0x0];
	_ =	sdelay $0x4  }
0xbd: {  	(v2sf) =	vpush v4, $0xD;
	_ =	sdelay $0x1  }
0xbe: {  	(v2sf) =	vpush v4, $0xC;
	_ =	sdelay $0x1  }
0xbf: {  	(v2sf) =	vpush v4, $0xE;
	_ =	sdelay $0x1  }
0xc0: {  	(v2sf) =	vpush v4, $0xF;
	_ =	sdelay $0x1  }
0xc1: {  	(v2sf) =	vpush v4, $0x9;
	_ =	sdelay $0x1  }
0xc2: {  	(v2sf) =	vpush v4, $0x8;
	_ =	sdelay $0x1  }
0xc3: {  	(v2sf) =	vpush v4, $0xA;
	_ =	sdelay $0x1  }
0xc4: {  	(v2sf) =	vpush v4, $0xB  }
0xc5: {  	s20 =	spop (v2sf)  }
0xc6: {  	(v2sf) =	vpush v4, $0x0;
	s21 =	smulhi.u32 $0x5397829D, s20;
	s0 =	sshra.s32 s20, $0x1F  }
0xc7: {  	(v2sf) =	vpush v4, $0x1;
	s22 =	spop (v2sf);
	s0 =	smul.u32 $0x5397829D, s0  }
0xc8: {  	(v2sf) =	vpush v4, $0x2;
	s23 =	smulhi.u32 $0x5397829D, s22;
	s2 =	sshra.s32 s22, $0x1F  }
0xc9: {  	(v2sf) =	vpush v4, $0x3;
	s24 =	spop (v2sf);
	s2 =	smul.u32 $0x5397829D, s2  }
0xca: {  	(v2sf) =	vpush v4, $0x4;
	s25 =	smulhi.u32 $0x5397829D, s24;
	s4 =	sshra.s32 s24, $0x1F  }
0xcb: {  	s30 =	spop (v2sf);
	(v2sf) =	vpush v4, $0x5;
	s4 =	smul.u32 $0x5397829D, s4  }
0xcc: {  	s31 =	smulhi.u32 $0x5397829D, s30;
	s7 =	sshra.s32 s30, $0x1F;
	(v2sf) =	vpush v4, $0x6  }
0xcd: {  	s29 =	sadd.s32 s0, s21;
	s8 =	spop (v2sf);
	s6 =	smul.u32 $0x5397829D, s7;
	(v2sf) =	vpush v4, $0x7  }
0xce: {  	s16 =	sshrl.u32 s29, $0x1F;
	s9 =	smulhi.u32 $0x5397829D, s8;
	s10 =	sshra.s32 s8, $0x1F  }
0xcf: {  	s0 =	sadd.s32 s2, s23;
	s11 =	spop (v2sf);
	s3 =	smul.u32 $0x5397829D, s10  }
0xd0: {  	s7 =	sshrl.u32 s0, $0x1F;
	s30 =	sadd.s32 s4, s25;
	s12 =	smulhi.u32 $0x5397829D, s11  }
0xd1: {  	s13 =	sshra.s32 s11, $0x1F;
	s14 =	spop (v2sf);
	s0 =	sshra.s32 s0, $0xB  }
0xd2: {  	s19 =	sshrl.u32 s30, $0x1F;
	s5 =	smul.u32 $0x5397829D, s13;
	s31 =	sadd.s32 s6, s31  }
0xd3: {  	s15 =	smulhi.u32 $0x5397829D, s14;
	s20 =	sshra.s32 s14, $0x1F;
	s21 =	spop (v2sf)  }
0xd4: {  	s23 =	sshrl.u32 s31, $0x1F;
	s6 =	smul.u32 $0x5397829D, s20;
	s3 =	sadd.s32 s3, s9  }
0xd5: {  	s2 =	smulhi.u32 $0x5397829D, s21;
	s8 =	sshra.s32 s21, $0x1F;
	s22 =	spop (v2sf)  }
0xd6: {  	s8 =	smul.u32 $0x5397829D, s8;
	s9 =	sshra.s32 s22, $0x1F;
	s24 =	spop (v2sf)  }
0xd7: {  	v54 =	vmov s7;
	s18 =	sshrl.u32 s3, $0x1F;
	s25 =	smul.u32 $0x5397829D, s9;
	s9 =	spop (v2sf)  }
0xd8: {  	v6 =	vsel vm0, s16, v54;
	s10 =	smulhi.u32 $0x5397829D, s22;
	s14 =	sadd.s32 s5, s12;
	s22 =	spop (v2sf)  }
0xd9: {  	v6 =	vsel vm1, s19, v6;
	s19 =	sshra.s32 s29, $0xB;
	s12 =	smulhi.u32 $0x5397829D, s24;
	s17 =	spop (v2sf)  }
0xda: {  	s11 =	sshra.s32 s24, $0x1F;
	s13 =	sshrl.u32 s14, $0x1F;
	s21 =	spop (v2sf)  }
0xdb: {  	s15 =	sadd.s32 s6, s15;
	s11 =	smul.u32 $0x5397829D, s11;
	s6 =	spop (v2sf)  }
0xdc: {  	s1 =	sadd.s32 s8, s2;
	s20 =	smulhi.u32 $0x5397829D, s9;
	s24 =	spop (v2sf)  }
0xdd: {  	s4 =	sadd.s32 s25, s10;
	s25 =	smulhi.u32 $0x5397829D, s24;
	s2 =	sshra.s32 s24, $0x1F  }
0xde: {  	s10 =	sshrl.u32 s4, $0x1F;
	s5 =	sshra.s32 s9, $0x1F;
	s2 =	smul.u32 $0x5397829D, s2  }
0xdf: {  	s9 =	sadd.s32 s11, s12;
	s12 =	sshrl.u32 s15, $0x1F;
	s5 =	smul.u32 $0x5397829D, s5  }
0xe0: {  	s8 =	smulhi.u32 $0x5397829D, s22;
	s22 =	sshra.s32 s22, $0x1F;
	s2 =	sadd.s32 s2, s25  }
0xe1: {  	s11 =	smul.u32 $0x5397829D, s22;
	s22 =	sshrl.u32 s9, $0x1F;
	s24 =	sshra.s32 s2, $0x1F  }
0xe2: {  	s5 =	sadd.s32 s5, s20;
	s20 =	sshrl.u32 s1, $0x1F;
	s25 =	sshra.s32 s4, $0xB;
	v5 =	vmov s24  }
0xe3: {  	v55 =	vmov s10;
	s10 =	smulhi.u32 $0x5397829D, s21;
	s8 =	sadd.s32 s11, s8;
	s4 =	sshra.s32 s4, $0x1F;
	v5 =	vsel vm3, s25, v5  }
0xe4: {  	v7 =	vnsel vm3, $0x0, v55;
	s11 =	smulhi.u32 $0x5397829D, s17;
	s17 =	sshra.s32 s17, $0x1F;
	s25 =	sshra.s32 s9, $0xB;
	v5 =	vsel vm9, s4, v5  }
0xe5: {  	v56 =	vmov s13;
	v7 =	vsel vm0, s22, v7;
	s22 =	smulhi.u32 $0x5397829D, s6;
	s24 =	sshra.s32 s21, $0x1F;
	s9 =	sshra.s32 s9, $0x1F;
	v5 =	vsel vm0, s25, v5  }
0xe6: {  	v6 =	vsel vm2, s23, v6;
	v8 =	vsel vm0, s18, v56;
	s6 =	sshra.s32 s6, $0x1F;
	s23 =	sshra.s32 s5, $0xB;
	s16 =	smul.u32 $0x5397829D, s24;
	v5 =	vsel vm10, s9, v5  }
0xe7: {  	v8 =	vsel vm1, s12, v8;
	s7 =	smul.u32 $0x5397829D, s17;
	s17 =	sshrl.u32 s5, $0x1F;
	s5 =	sshra.s32 s5, $0x1F;
	v5 =	vsel vm1, s23, v5  }
0xe8: {  	v8 =	vsel vm2, s20, v8;
	s20 =	sshra.s32 s3, $0xB;
	s25 =	sadd.s32 s16, s10;
	s10 =	sshra.s32 s8, $0xB;
	v5 =	vsel vm11, s5, v5  }
0xe9: {  	v57 =	vmov s0;
	s6 =	smul.u32 $0x5397829D, s6;
	s12 =	sshra.s32 s8, $0x1F;
	v6 =	vcombine.low v8, v6;
	s7 =	sadd.s32 s7, s11;
	v5 =	vsel vm2, s10, v5  }
0xea: {  	v8 =	vsel vm0, s19, v57;
	v7 =	vsel vm1, s17, v7;
	s17 =	sshra.s32 s14, $0xB;
	s21 =	sshrl.u32 s8, $0x1F;
	s16 =	sshra.s32 s7, $0xB;
	v5 =	vsel vm12, s12, v5  }
0xeb: {  	s6 =	sadd.s32 s6, s22;
	v58 =	vmov s17;
	s18 =	sshra.s32 s7, $0x1F;
	v7 =	vsel vm2, s21, v7;
	s24 =	sshrl.u32 s7, $0x1F;
	v5 =	vsel vm4, s16, v5  }
0xec: {  	s22 =	sshra.s32 s30, $0xB;
	v9 =	vsel vm0, s20, v58;
	v7 =	vsel vm4, s24, v7;
	s11 =	sshrl.u32 s25, $0x1F;
	s21 =	sshra.s32 s25, $0xB;
	v5 =	vsel vm13, s18, v5  }
0xed: {  	v8 =	vsel vm1, s22, v8;
	s24 =	sshra.s32 s25, $0x1F;
	s25 =	sshra.s32 s31, $0xB;
	v7 =	vsel vm5, s11, v7;
	s23 =	sshra.s32 s15, $0xB;
	v5 =	vsel vm5, s21, v5  }
0xee: {  	s29 =	sshra.s32 s1, $0xB;
	s13 =	sshrl.u32 s6, $0x1F;
	s30 =	sshra.s32 s6, $0xB;
	v8 =	vsel vm2, s25, v8;
	v9 =	vsel vm1, s23, v9;
	v5 =	vsel vm14, s24, v5  }
0xef: {  	s1 =	sshra.s32 s6, $0x1F;
	s31 =	sshrl.u32 s2, $0x1F;
	v7 =	vsel vm6, s13, v7;
	v9 =	vsel vm2, s29, v9;
	v5 =	vsel vm6, s30, v5  }
0xf0: {  	s2 =	sshra.s32 s2, $0xB;
	v7 =	vsel vm7, s31, v7;
	v8 =	vcombine.low v9, v8;
	v5 =	vsel vm15, s1, v5  }
0xf1: {  	v6 =	vperm.xlane v6, v0;
	v7 =	vperm.xlane v7, v1;
	v5 =	vsel vm7, s2, v5  }
0xf2: {  	v8 =	vperm.xlane v8, v0;
	v5 =	vperm.xlane v5, v1;
	_ =	sdelay $0x1  }
0xf3: {  	v6 =	vsel vm8, v7, v6;
	v5 =	vsel vm8, v5, v8  }
0xf4: {  	v5 =	vadd.s32 v6, v5  }
0xf5: {  	v6 =	vmul.u32 $0xFFFFE780, v5;
	_ =	sdelay $0x1  }
0xf6: {  	v4 =	vadd.s32 v4, v6  }
0xf7: {  	v4 =	vshll.u32 v4, $0x3  }
0xf8: {  	v4 =	vadd.s32 v5, v4  }
0xf9: {  	[tilespmem:s28+$0x0] =	vst v4  }
0xfa: {  	v4 =	vld [tilespmem:s26+$0x10];
	_ =	sdelay $0x4  }
0xfb: {  	(v2sf) =	vpush v4, $0xD;
	_ =	sdelay $0x1  }
0xfc: {  	(v2sf) =	vpush v4, $0xC;
	_ =	sdelay $0x1  }
0xfd: {  	(v2sf) =	vpush v4, $0xE;
	_ =	sdelay $0x1  }
0xfe: {  	(v2sf) =	vpush v4, $0xF;
	_ =	sdelay $0x1  }
0xff: {  	(v2sf) =	vpush v4, $0x9;
	_ =	sdelay $0x1  }
0x100: {  	(v2sf) =	vpush v4, $0x8  }
0x101: {  	(v2sf) =	vpush v4, $0xA  }
0x102: {  	(v2sf) =	vpush v4, $0xB;
	_ =	sdelay $0x1  }
0x103: {  	(v2sf) =	vpush v4, $0x0  }
0x104: {  	s3 =	spop (v2sf)  }
0x105: {  	(v2sf) =	vpush v4, $0x1;
	s4 =	smulhi.u32 $0x5397829D, s3;
	s0 =	sshra.s32 s3, $0x1F  }
0x106: {  	s25 =	spop (v2sf);
	s0 =	smul.u32 $0x5397829D, s0  }
0x107: {  	(v2sf) =	vpush v4, $0x2;
	s29 =	smulhi.u32 $0x5397829D, s25;
	s2 =	sshra.s32 s25, $0x1F  }
0x108: {  	s6 =	spop (v2sf);
	s2 =	smul.u32 $0x5397829D, s2  }
0x109: {  	(v2sf) =	vpush v4, $0x3;
	s8 =	smulhi.u32 $0x5397829D, s6;
	s3 =	sshra.s32 s6, $0x1F  }
0x10a: {  	(v2sf) =	vpush v4, $0x4;
	s7 =	spop (v2sf);
	s31 =	smul.u32 $0x5397829D, s3  }
0x10b: {  	(v2sf) =	vpush v4, $0x5;
	s9 =	smulhi.u32 $0x5397829D, s7;
	s5 =	sshra.s32 s7, $0x1F  }
0x10c: {  	(v2sf) =	vpush v4, $0x6;
	s30 =	spop (v2sf);
	s5 =	smul.u32 $0x5397829D, s5  }
0x10d: {  	(v2sf) =	vpush v4, $0x7;
	s11 =	smulhi.u32 $0x5397829D, s30;
	s7 =	sshra.s32 s30, $0x1F  }
0x10e: {  	s10 =	spop (v2sf);
	s7 =	smul.u32 $0x5397829D, s7  }
0x10f: {  	s12 =	spop (v2sf);
	s17 =	smulhi.u32 $0x5397829D, s10;
	s3 =	sshra.s32 s10, $0x1F  }
0x110: {  	s30 =	sadd.s32 s2, s29;
	s13 =	spop (v2sf);
	s19 =	smul.u32 $0x5397829D, s3  }
0x111: {  	s21 =	smulhi.u32 $0x5397829D, s12;
	s25 =	sshra.s32 s12, $0x1F;
	s3 =	sadd.s32 s0, s4  }
0x112: {  	s0 =	sadd.s32 s5, s9;
	s14 =	spop (v2sf);
	s22 =	smul.u32 $0x5397829D, s25  }
0x113: {  	s24 =	smulhi.u32 $0x5397829D, s13;
	s12 =	sshra.s32 s13, $0x1F;
	s13 =	sshrl.u32 s30, $0x1F  }
0x114: {  	s9 =	sshrl.u32 s0, $0x1F;
	s15 =	spop (v2sf);
	s1 =	smul.u32 $0x5397829D, s12  }
0x115: {  	s4 =	smulhi.u32 $0x5397829D, s14;
	s29 =	sshra.s32 s14, $0x1F;
	s12 =	sshrl.u32 s3, $0x1F  }
0x116: {  	s3 =	sshra.s32 s3, $0xB;
	s18 =	spop (v2sf);
	s25 =	smul.u32 $0x5397829D, s29  }
0x117: {  	s29 =	sadd.s32 s31, s8;
	s6 =	smulhi.u32 $0x5397829D, s15;
	s31 =	sshra.s32 s15, $0x1F  }
0x118: {  	s15 =	sadd.s32 s7, s11;
	s20 =	spop (v2sf);
	s5 =	smul.u32 $0x5397829D, s31  }
0x119: {  	s11 =	smulhi.u32 $0x5397829D, s18;
	s18 =	sshra.s32 s18, $0x1F;
	s10 =	spop (v2sf)  }
0x11a: {  	s31 =	sadd.s32 s19, s17;
	s19 =	smul.u32 $0x5397829D, s18;
	s23 =	spop (v2sf)  }
0x11b: {  	s17 =	smulhi.u32 $0x5397829D, s20;
	s20 =	sshra.s32 s20, $0x1F;
	s16 =	spop (v2sf)  }
0x11c: {  	s2 =	sadd.s32 s22, s21;
	s18 =	smul.u32 $0x5397829D, s20;
	s21 =	spop (v2sf)  }
0x11d: {  	s8 =	sshrl.u32 s29, $0x1F;
	s22 =	smulhi.u32 $0x5397829D, s21;
	s14 =	sshra.s32 s21, $0x1F  }
0x11e: {  	s1 =	sadd.s32 s1, s24;
	s4 =	sadd.s32 s25, s4;
	s24 =	smul.u32 $0x5397829D, s14  }
0x11f: {  	s20 =	sshrl.u32 s15, $0x1F;
	s5 =	sadd.s32 s5, s6;
	s25 =	smulhi.u32 $0x5397829D, s10  }
0x120: {  	s10 =	sshra.s32 s10, $0x1F;
	s6 =	sshrl.u32 s2, $0x1F;
	s14 =	sadd.s32 s24, s22  }
0x121: {  	s7 =	sadd.s32 s19, s11;
	s10 =	smul.u32 $0x5397829D, s10;
	s22 =	sshra.s32 s14, $0x1F  }
0x122: {  	v59 =	vmov s13;
	s11 =	sshrl.u32 s1, $0x1F;
	s19 =	sshrl.u32 s5, $0x1F;
	s24 =	sshra.s32 s4, $0xB;
	v5 =	vmov s22  }
0x123: {  	v6 =	vsel vm0, s12, v59;
	s10 =	sadd.s32 s10, s25;
	s25 =	sshrl.u32 s4, $0x1F;
	s4 =	sshra.s32 s4, $0x1F;
	v5 =	vsel vm3, s24, v5  }
0x124: {  	v6 =	vsel vm1, s8, v6;
	s12 =	smulhi.u32 $0x5397829D, s23;
	v60 =	vmov s25;
	s22 =	sshra.s32 s23, $0x1F;
	s23 =	sshra.s32 s5, $0xB;
	v5 =	vsel vm9, s4, v5  }
0x125: {  	v6 =	vsel vm2, s9, v6;
	s9 =	smulhi.u32 $0x5397829D, s16;
	s21 =	sshrl.u32 s31, $0x1F;
	v7 =	vnsel vm3, $0x0, v60;
	s5 =	sshra.s32 s5, $0x1F;
	v5 =	vsel vm0, s23, v5  }
0x126: {  	s17 =	sadd.s32 s18, s17;
	v61 =	vmov s21;
	v7 =	vsel vm0, s19, v7;
	s19 =	sshra.s32 s7, $0xB;
	s25 =	smul.u32 $0x5397829D, s22;
	v5 =	vsel vm10, s5, v5  }
0x127: {  	s18 =	sshra.s32 s16, $0x1F;
	v8 =	vsel vm0, s20, v61;
	s24 =	sshrl.u32 s7, $0x1F;
	s7 =	sshra.s32 s7, $0x1F;
	v5 =	vsel vm1, s19, v5  }
0x128: {  	v8 =	vsel vm1, s6, v8;
	s22 =	sshrl.u32 s17, $0x1F;
	v7 =	vsel vm1, s24, v7;
	s4 =	sadd.s32 s25, s12;
	s25 =	sshra.s32 s17, $0xB;
	v5 =	vsel vm11, s7, v5  }
0x129: {  	s13 =	sshra.s32 s17, $0x1F;
	v8 =	vsel vm2, s11, v8;
	s24 =	sshrl.u32 s10, $0x1F;
	s23 =	smul.u32 $0x5397829D, s18;
	v7 =	vsel vm2, s22, v7;
	v5 =	vsel vm2, s25, v5  }
0x12a: {  	v6 =	vcombine.low v8, v6;
	s17 =	sshra.s32 s10, $0xB;
	s18 =	sshra.s32 s30, $0xB;
	v7 =	vsel vm4, s24, v7;
	s12 =	sshrl.u32 s4, $0x1F;
	v5 =	vsel vm12, s13, v5  }
0x12b: {  	s21 =	sshra.s32 s15, $0xB;
	s20 =	sshra.s32 s10, $0x1F;
	v62 =	vmov s18;
	v7 =	vsel vm5, s12, v7;
	s19 =	sshra.s32 s31, $0xB;
	v5 =	vsel vm4, s17, v5  }
0x12c: {  	s22 =	sshra.s32 s4, $0xB;
	s5 =	sadd.s32 s23, s9;
	v8 =	vsel vm0, s3, v62;
	s23 =	sshra.s32 s29, $0xB;
	v63 =	vmov s19;
	v5 =	vsel vm13, s20, v5  }
0x12d: {  	s2 =	sshra.s32 s2, $0xB;
	s4 =	sshra.s32 s4, $0x1F;
	s16 =	sshrl.u32 s5, $0x1F;
	v8 =	vsel vm1, s23, v8;
	v9 =	vsel vm0, s21, v63;
	v5 =	vsel vm5, s22, v5  }
0x12e: {  	s0 =	sshra.s32 s0, $0xB;
	s1 =	sshra.s32 s1, $0xB;
	s24 =	sshra.s32 s5, $0xB;
	v7 =	vsel vm6, s16, v7;
	v9 =	vsel vm1, s2, v9;
	v5 =	vsel vm14, s4, v5  }
0x12f: {  	s29 =	sshra.s32 s5, $0x1F;
	s25 =	sshrl.u32 s14, $0x1F;
	v8 =	vsel vm2, s0, v8;
	v9 =	vsel vm2, s1, v9;
	v5 =	vsel vm6, s24, v5  }
0x130: {  	s30 =	sshra.s32 s14, $0xB;
	v7 =	vsel vm7, s25, v7;
	v8 =	vcombine.low v9, v8;
	v5 =	vsel vm15, s29, v5  }
0x131: {  	v6 =	vperm.xlane v6, v0;
	v7 =	vperm.xlane v7, v1;
	v5 =	vsel vm7, s30, v5  }
0x132: {  	v8 =	vperm.xlane v8, v0;
	v5 =	vperm.xlane v5, v1;
	_ =	sdelay $0x1  }
0x133: {  	s31 =	rddreg [dreg:$0xf];
	v6 =	vsel vm8, v7, v6;
	v5 =	vsel vm8, v5, v8  }
0x134: {  	s0 =	sadd.s32 $0x4, s31;
	v5 =	vadd.s32 v6, v5  }
0x135: {  	p0 =	slt.u32 s0, $0x1C;
	v6 =	vmul.u32 $0xFFFFE780, v5  }
.Ltmp0:
0x136: {  	_ = 	snop;
	(pc) =	sbr.rel @p0 .LBB2_2-.Ltmp0, $4  }
0x137: {  	v4 =	vadd.s32 v4, v6  }
0x138: {  	v4 =	vshll.u32 v4, $0x3  }
0x139: {  	v4 =	vadd.s32 v5, v4  }
0x13a: {  	s26 =	sadd.s32 $0x40, s26;
	[tilespmem:s28+$0x10] =	vst v4;
	s28 =	sadd.s32 $0x40, s28  }
0x13b: {  	s0 =	rddreg [dreg:$0x7];
	s4 =	simm.s32 $0x200  }
0x13c: {  	s1 =	simm.s32 $0x400;
	s5 =	simm.s32 $0x1800;
	s26 =	simm.s32 $0x0  }
0x13d: {  	[tilespmem:s5], [sflag:$0x1] =	stream.indirect.gather [hbm4b:s0+s4], $0x10, s1, s4, $0xb8;
	[tilespmem:$0x8800] =	vst v63  }
0x13e: {  	s28 =	sand.u32 $0x1F0, s26  }
0x13f: {  	v4 =	vld [tilespmem:s28+$0x0]  }
0x140: {  	v5 =	vld [tilespmem:s28+$0x200];
	_ =	sdelay $0x1  }
0x141: {  	s0 =	sand.u32 $0x8, s26  }
0x142: {  	v6 =	vor.u32 s0, v2  }
0x143: {  	v4 =	vperm.xlane v4, v6  }
0x144: {  	v5 =	vperm.xlane v5, v6  }
0x145: {  	v4 =	vshll.u32 v4, $0xA  }
0x146: {  	v4 =	vadd.s32 v4, v5  }
0x147: {  	s25 =	simm.s32 $0x820;
	v4 =	vadd.s32 v3, v4  }
0x148: {  	[tilespmem:s25+$0xFFFFFFE0] =	vst v4  }
0x149: {  	v4 =	vld [tilespmem:s28+$0x0]  }
0x14a: {  	v5 =	vld [tilespmem:s28+$0x200]  }
0x14b: {  	s29 =	simm.s32 $0x2  }
0x14c: {  	s0 =	sand.u32 $0xA, s29  }
0x14d: {  	v6 =	vor.u32 s0, v2  }
0x14e: {  	v4 =	vperm.xlane v4, v6  }
0x14f: {  	v5 =	vperm.xlane v5, v6  }
0x150: {  	v4 =	vshll.u32 v4, $0xA  }
0x151: {  	v4 =	vadd.s32 v4, v5  }
0x152: {  	v4 =	vadd.s32 v3, v4  }
0x153: {  	[tilespmem:s25+$0xFFFFFFF0] =	vst v4  }
0x154: {  	v4 =	vld [tilespmem:s28+$0x0]  }
0x155: {  	v5 =	vld [tilespmem:s28+$0x200]  }
0x156: {  	s30 =	simm.s32 $0x4  }
0x157: {  	s0 =	sand.u32 $0xC, s30  }
0x158: {  	v6 =	vor.u32 s0, v2  }
0x159: {  	v4 =	vperm.xlane v4, v6  }
0x15a: {  	v5 =	vperm.xlane v5, v6  }
0x15b: {  	v4 =	vshll.u32 v4, $0xA  }
0x15c: {  	v4 =	vadd.s32 v4, v5  }
0x15d: {  	v4 =	vadd.s32 v3, v4  }
0x15e: {  	[tilespmem:s25+$0x0] =	vst v4  }
0x15f: {  	v4 =	vld [tilespmem:s28+$0x0]  }
0x160: {  	v5 =	vld [tilespmem:s28+$0x200]  }
0x161: {  	s31 =	simm.s32 $0x6  }
0x162: {  	s0 =	sand.u32 $0xE, s31  }
0x163: {  	v6 =	vor.u32 s0, v2  }
0x164: {  	v4 =	vperm.xlane v4, v6  }
0x165: {  	v5 =	vperm.xlane v5, v6  }
0x166: {  	v4 =	vshll.u32 v4, $0xA  }
0x167: {  	v4 =	vadd.s32 v4, v5  }
0x168: {  	s3 =	simm.s32 $0x8;
	s0 =	simm.s32 $0x0;
	v4 =	vadd.s32 v3, v4  }
.LBB2_4:
0x169: {  	s1 =	sand.u32 $0x1F0, s3;
	s0 =	sadd.s32 $0x4, s0;
	[tilespmem:s25+$0x10] =	vst v4  }
0x16a: {  	v4 =	vld [tilespmem:s1+$0x0];
	p0 =	slt.u32 s0, $0xFC  }
0x16b: {  	v5 =	vld [tilespmem:s1+$0x200];
	_ =	sdelay $0x1  }
0x16c: {  	s2 =	sand.u32 $0x8, s3  }
0x16d: {  	v6 =	vor.u32 s2, v2  }
0x16e: {  	v4 =	vperm.xlane v4, v6  }
0x16f: {  	v5 =	vperm.xlane v5, v6  }
0x170: {  	v4 =	vshll.u32 v4, $0xA  }
0x171: {  	v4 =	vadd.s32 v4, v5  }
0x172: {  	s25 =	sadd.s32 $0x40, s25;
	v4 =	vadd.s32 v3, v4  }
0x173: {  	[tilespmem:s25+$0xFFFFFFE0] =	vst v4  }
0x174: {  	v4 =	vld [tilespmem:s1+$0x0]  }
0x175: {  	v5 =	vld [tilespmem:s1+$0x200]  }
0x176: {  	s2 =	sadd.s32 $0x2, s3  }
0x177: {  	s2 =	sand.u32 $0xA, s2  }
0x178: {  	v6 =	vor.u32 s2, v2  }
0x179: {  	v4 =	vperm.xlane v4, v6  }
0x17a: {  	v5 =	vperm.xlane v5, v6  }
0x17b: {  	v4 =	vshll.u32 v4, $0xA  }
0x17c: {  	v4 =	vadd.s32 v4, v5  }
0x17d: {  	v4 =	vadd.s32 v3, v4  }
0x17e: {  	[tilespmem:s25+$0xFFFFFFF0] =	vst v4  }
0x17f: {  	v4 =	vld [tilespmem:s1+$0x0]  }
0x180: {  	v5 =	vld [tilespmem:s1+$0x200]  }
0x181: {  	s2 =	sadd.s32 $0x4, s3  }
0x182: {  	s2 =	sand.u32 $0xC, s2  }
0x183: {  	v6 =	vor.u32 s2, v2  }
0x184: {  	v4 =	vperm.xlane v4, v6  }
0x185: {  	v5 =	vperm.xlane v5, v6  }
0x186: {  	v4 =	vshll.u32 v4, $0xA  }
0x187: {  	v4 =	vadd.s32 v4, v5  }
0x188: {  	v4 =	vadd.s32 v3, v4  }
0x189: {  	[tilespmem:s25+$0x0] =	vst v4  }
0x18a: {  	v4 =	vld [tilespmem:s1+$0x0]  }
0x18b: {  	v5 =	vld [tilespmem:s1+$0x200]  }
0x18c: {  	s1 =	sadd.s32 $0x6, s3  }
0x18d: {  	s1 =	sand.u32 $0xE, s1  }
0x18e: {  	v6 =	vor.u32 s1, v2  }
.Ltmp1:
0x18f: {  	v4 =	vperm.xlane v4, v6;
	(pc) =	sbr.rel @p0 .LBB2_4-.Ltmp1, $4  }
0x190: {  	v5 =	vperm.xlane v5, v6  }
0x191: {  	v4 =	vshll.u32 v4, $0xA  }
0x192: {  	v4 =	vadd.s32 v4, v5  }
0x193: {  	s3 =	sadd.s32 $0x8, s3;
	v4 =	vadd.s32 v3, v4  }
0x194: {  	s0 =	rddreg [dreg:$0x2]  }
0x195: {  	[tilespmem:s25+$0x10] =	vst v4;
	s1 =	simm.s32 $0x1000;
	s2 =	simm.s32 $0x800;
	s3 =	simm.s32 $0x5800  }
0x196: {  	[tilespmem:s3], [sflag:$0x1] =	stream.indirect.gather [hbm4b:s0+s1], $0x1, s2, s1, $0xb8;
	[tilespmem:$0x8800] =	vst v63  }
0x197: {  	s3 =	simm.s32 $0x1  }
0x198: {  	_ =	swait.ge [sflag:s3], $0x2000  }
0x199: {  	[sflag:s3] =	ssyncset.done $0x0  }
0x19a: {  	s26 =	simm.s32 $0x2;
	[sflag:s3] =	ssyncadd.s32 $0xFFFFE000  }
0x19b: {  	_ =	swait.ge [sflag:s26], $0x2000  }
0x19c: {  	[sflag:s26] =	ssyncset.done $0x0  }
0x19d: {  	s31 =	simm.s32 $0x1840;
	[sflag:s26] =	ssyncadd.s32 $0xFFFFE000  }
0x19e: {  	s25 =	simm.s32 $0x3840;
	v4 =	vld [tilespmem:s31+$0xFFFFFFC0]  }
0x19f: {  	v5 =	vld [tilespmem:s25+$0xFFFFFFC0];
	_ =	sdelay $0x4  }
0x1a0: {  	v4 =	vmul.f32 v5, v4  }
0x1a1: {  	s26 =	simm.s32 $0x6840  }
0x1a2: {  	[tilespmem:s26+$0xFFFFFFC0] =	vst v4  }
0x1a3: {  	v4 =	vld [tilespmem:s25+$0xFFFFFFD0]  }
0x1a4: {  	v5 =	vld [tilespmem:s31+$0xFFFFFFD0];
	_ =	sdelay $0x4  }
0x1a5: {  	v4 =	vmul.f32 v4, v5;
	_ =	sdelay $0x1  }
0x1a6: {  	[tilespmem:s26+$0xFFFFFFD0] =	vst v4  }
0x1a7: {  	v4 =	vld [tilespmem:s31+$0xFFFFFFE0]  }
0x1a8: {  	v5 =	vld [tilespmem:s25+$0xFFFFFFE0];
	_ =	sdelay $0x4  }
0x1a9: {  	v4 =	vmul.f32 v5, v4;
	_ =	sdelay $0x1  }
0x1aa: {  	[tilespmem:s26+$0xFFFFFFE0] =	vst v4  }
0x1ab: {  	v4 =	vld [tilespmem:s31+$0xFFFFFFF0]  }
0x1ac: {  	v5 =	vld [tilespmem:s25+$0xFFFFFFF0];
	_ =	sdelay $0x4  }
0x1ad: {  	v4 =	vmul.f32 v5, v4;
	_ =	sdelay $0x1  }
0x1ae: {  	[tilespmem:s26+$0xFFFFFFF0] =	vst v4  }
0x1af: {  	v4 =	vld [tilespmem:s31+$0x0]  }
0x1b0: {  	v5 =	vld [tilespmem:s25+$0x0];
	_ =	sdelay $0x4  }
0x1b1: {  	v4 =	vmul.f32 v5, v4;
	_ =	sdelay $0x1  }
0x1b2: {  	[tilespmem:s26+$0x0] =	vst v4  }
0x1b3: {  	v4 =	vld [tilespmem:s31+$0x10]  }
0x1b4: {  	v5 =	vld [tilespmem:s25+$0x10];
	_ =	sdelay $0x4  }
0x1b5: {  	v4 =	vmul.f32 v5, v4;
	_ =	sdelay $0x1  }
0x1b6: {  	[tilespmem:s26+$0x10] =	vst v4  }
0x1b7: {  	v4 =	vld [tilespmem:s31+$0x20]  }
0x1b8: {  	v5 =	vld [tilespmem:s25+$0x20];
	_ =	sdelay $0x4  }
0x1b9: {  	v4 =	vmul.f32 v5, v4;
	_ =	sdelay $0x1  }
0x1ba: {  	s28 =	simm.s32 $0x0;
	s30 =	simm.s32 $0x18C0;
	s29 =	simm.s32 $0x6840;
	[tilespmem:s26+$0x20] =	vst v4  }
0x1bb: {  	s9 =	simm.s32 $0x0;
	s2 =	simm.s32 $0x5800;
	s1 =	simm.s32 $0x3;
	v4 =	vld [tilespmem:s31+$0x30]  }
.LBB2_6:
0x1bc: {  	s28 =	sadd.s32 $0x8, s28;
	v5 =	vld [tilespmem:s25+$0x30];
	s26 =	sadd.s32 $0x80, s26;
	s25 =	sadd.s32 $0x80, s25  }
0x1bd: {  	p0 =	slt.u32 s28, $0x1F8;
	_ =	sdelay $0x3  }
0x1be: {  	v4 =	vmul.f32 v5, v4;
	_ =	sdelay $0x1  }
0x1bf: {  	[tilespmem:s29+$0x30] =	vst v4;
	s29 =	smov.u32 s26  }
0x1c0: {  	v4 =	vld [tilespmem:s30+$0xFFFFFFC0]  }
0x1c1: {  	v5 =	vld [tilespmem:s25+$0xFFFFFFC0];
	_ =	sdelay $0x4  }
0x1c2: {  	v4 =	vmul.f32 v5, v4;
	_ =	sdelay $0x1  }
0x1c3: {  	[tilespmem:s26+$0xFFFFFFC0] =	vst v4  }
0x1c4: {  	v4 =	vld [tilespmem:s25+$0xFFFFFFD0]  }
0x1c5: {  	v5 =	vld [tilespmem:s30+$0xFFFFFFD0];
	_ =	sdelay $0x4  }
0x1c6: {  	v4 =	vmul.f32 v4, v5;
	_ =	sdelay $0x1  }
0x1c7: {  	[tilespmem:s26+$0xFFFFFFD0] =	vst v4  }
0x1c8: {  	v4 =	vld [tilespmem:s30+$0xFFFFFFE0]  }
0x1c9: {  	v5 =	vld [tilespmem:s25+$0xFFFFFFE0];
	_ =	sdelay $0x4  }
0x1ca: {  	v4 =	vmul.f32 v5, v4;
	_ =	sdelay $0x1  }
0x1cb: {  	[tilespmem:s26+$0xFFFFFFE0] =	vst v4  }
0x1cc: {  	v4 =	vld [tilespmem:s30+$0xFFFFFFF0]  }
0x1cd: {  	v5 =	vld [tilespmem:s25+$0xFFFFFFF0];
	_ =	sdelay $0x4  }
0x1ce: {  	v4 =	vmul.f32 v5, v4;
	_ =	sdelay $0x1  }
0x1cf: {  	[tilespmem:s26+$0xFFFFFFF0] =	vst v4  }
0x1d0: {  	v4 =	vld [tilespmem:s30+$0x0]  }
0x1d1: {  	v5 =	vld [tilespmem:s25+$0x0];
	_ =	sdelay $0x4  }
0x1d2: {  	v4 =	vmul.f32 v5, v4;
	_ =	sdelay $0x1  }
0x1d3: {  	[tilespmem:s26+$0x0] =	vst v4  }
0x1d4: {  	v4 =	vld [tilespmem:s30+$0x10]  }
0x1d5: {  	v5 =	vld [tilespmem:s25+$0x10];
	_ =	sdelay $0x4  }
0x1d6: {  	v4 =	vmul.f32 v5, v4;
	_ =	sdelay $0x1  }
0x1d7: {  	[tilespmem:s26+$0x10] =	vst v4  }
0x1d8: {  	v4 =	vld [tilespmem:s30+$0x20]  }
0x1d9: {  	v5 =	vld [tilespmem:s25+$0x20];
	_ =	sdelay $0x3  }
.Ltmp2:
0x1da: {  	(pc) =	sbr.rel @p0 .LBB2_6-.Ltmp2, $3  }
0x1db: {  	v4 =	vmul.f32 v5, v4;
	_ =	sdelay $0x1  }
0x1dc: {  	[tilespmem:s26+$0x20] =	vst v4  }
0x1dd: {  	v4 =	vld [tilespmem:s30+$0x30];
	s30 =	sadd.s32 $0x80, s30  }
0x1de: {  	v5 =	vld [tilespmem:s25+$0x30];
	_ =	sdelay $0x4  }
0x1df: {  	v4 =	vmul.f32 v5, v4;
	_ =	sdelay $0x1  }
0x1e0: {  	s0 =	rddreg [dreg:$0xa];
	[tilespmem:s29+$0x30] =	vst v4  }
0x1e1: {  	[hbm4b:s0+s9] =	stream.linear.scatter [tilespmem:s5], [sflag:$0x3], $0x2000, $0x38;
	[tilespmem:$0x8800] =	vst v63  }
0x1e2: {  	_ =	swait.ge [sflag:s1], $0x2000  }
0x1e3: {  	[sflag:s1] =	ssyncset.done $0x0  }
0x1e4: {  	s28 =	simm.s32 $0x6800;
	s26 =	rddreg [dreg:$0xb];
	[sflag:s1] =	ssyncadd.s32 $0xFFFFE000  }
0x1e5: {  	[hbm4b:s26+s9] =	stream.linear.scatter [tilespmem:s28], [sflag:$0x3], $0x2000, $0x38;
	[tilespmem:$0x8800] =	vst v63  }
0x1e6: {  	_ =	swait.ge [sflag:s1], $0x2000  }
0x1e7: {  	[sflag:s1] =	ssyncset.done $0x0  }
0x1e8: {  	[sflag:s1] =	ssyncadd.s32 $0xFFFFE000  }
0x1e9: {  	_ =	swait.ge [sflag:s3], $0x1000  }
0x1ea: {  	[sflag:s3] =	ssyncset.done $0x0  }
0x1eb: {  	s29 =	rddreg [dreg:$0xc];
	[sflag:s3] =	ssyncadd.s32 $0xFFFFF000  }
0x1ec: {  	[hbm4b:s29+s9] =	stream.linear.scatter [tilespmem:s2], [sflag:$0x3], $0x1000, $0x38;
	[tilespmem:$0x8800] =	vst v63  }
0x1ed: {  	_ =	swait.ge [sflag:s1], $0x1000  }
0x1ee: {  	s30 =	rddreg [dreg:$0xe]  }
0x1ef: {  	s31 =	rddreg [dreg:$0xd];
	s2 =	sadd.s32 $0x1, s30  }
0x1f0: {  	p0 =	sne.s32 s2, s31  }
.Ltmp3:
0x1f1: {  	_ = 	snop;
	(pc) =	sbr.rel @p0 .LBB2_1-.Ltmp3, $3  }
0x1f2: {  	_ =	sdelay $0x1  }
0x1f3: {  	[sflag:s1] =	ssyncset.done $0x0  }
0x1f4: {  	[sflag:s1] =	ssyncadd.s32 $0xFFFFF000  }
0x1f5: {  	_ =	sfence.sel $0x180000  }
0x1f6: {  	[bflag:$0x0] =	sbarrier.arrive $0xFFFF  }
0x1f7: {  	_ =	strace $0x90000047  }
0x1f8: {  	s0 =	stileid.u32;
	[bflag:$0x2] =	sbarrier.arrive $0xFFFF  }
0x1f9: {  	p0 =	sne.s32 s0, $0x0;
	s0 =	rddreg [dreg:$0x6]  }
0x1fa: {  	s0 =	sadd.s32 @!p0 $0x100000, s0  }
0x1fb: {  	[sflag:s0] =	ssyncadd.tile.s32 @!p0 $0x1;
	_ =	shalt  }
.Lfunc_end2:
_tile_overlayer_lowered:
.L_overlay_start_2:
0x1fc: {  	(tag) =	ssettag $0x2  }
0x1fd: {  	s0 =	rddreg [dreg:$0x0];
	s2 =	stileid.u32  }
0x1fe: {  	s1 =	rddreg [dreg:$0x1];
	p0 =	sne.s32 s2, $0x0  }
0x1ff: {  	s3 =	rddreg [dreg:$0x2];
	[bflag:$0x3] =	sbarrier.arrive $0xFFFF;
	s2 =	simm.s32 @!p0 $0x1C03  }
0x200: {  	[timem:s3], [sflag:s2] =	dma.local @!p0 [hbm:s0], s1  }
0x201: {  	s0 =	simm.s32 @!p0 $0x3  }
0x202: {  	_ =	swait.ge @!p0 [sflag:s0], s1  }
0x203: {  	s1 =	ssub.s32 @!p0 $0x0, s1;
	[sflag:s0] =	ssyncset.done @!p0 $0x0  }
0x204: {  	[sflag:s0] =	ssyncadd.s32 @!p0 s1  }
0x205: {  	[bflag:$0x3] =	sbarrier.arrive $0xFFFF  }
0x206: {  	_ =	shalt  }

</sc_bundles>
